<compile_context>
chip_gen: v7x
topology: tpu7x:2x2x1
jax: 0.10.2.dev20260603
libtpu: 0.0.44.dev20260713+nightly
codegen_flags: <defaults>
</compile_context>

<pallas_src>
import functools

import jax
import jax.numpy as jnp
from jax import lax
from jax.experimental import pallas as pl
from jax.experimental.pallas import tpu as pltpu
from jax.experimental.pallas import tpu_sc as plsc

N = 10000
E = 160000
C = 256
CH = 128

NC = 2
NS = 16
NW = NC * NS

EPT1 = 5008
DEGN = 10240
DEG_DUMMY = N

CHUNK = 128
WCH = 40
NWIN = 2
EPT2 = NWIN * WCH * CHUNK
ROWS_PER_TILE = 640
ACC_ROWS = ROWS_PER_TILE * NS
COL_DUMMY = 10008

BLK = 1000
GRID = N // BLK
BLK2 = 2000
GRID2 = N // BLK2


def _sc_mesh():
  return plsc.VectorSubcoreMesh(core_axis_name="c", subcore_axis_name="s",
                                num_cores=NC, num_subcores=NS)


def _sc_degree_body(row_hbm, out_hbm, idx_v, deg_v):
  c = lax.axis_index("c")
  s = lax.axis_index("s")
  wid = c * NS + s
  pltpu.sync_copy(row_hbm.at[wid], idx_v)

  def zero_body(i, carry):
    deg_v[pl.ds(i * 16, 16)] = jnp.zeros((16,), jnp.float32)
    return carry
  lax.fori_loop(0, DEGN // 16, zero_body, 0)

  ones16 = jnp.ones((16,), jnp.float32)

  def scat_body(i, carry):
    idxs = idx_v[pl.ds(i * 16, 16)]
    plsc.addupdate_scatter(deg_v, [idxs], ones16)
    return carry
  lax.fori_loop(0, EPT1 // 16, scat_body, 0)

  pltpu.sync_copy(deg_v, out_hbm.at[wid])


def _sc_degree(row1):
  return pl.kernel(
      _sc_degree_body,
      out_type=jax.ShapeDtypeStruct((NW, DEGN), jnp.float32),
      mesh=_sc_mesh(),
      scratch_types=[
          pltpu.VMEM((EPT1,), jnp.int32),
          pltpu.VMEM((DEGN,), jnp.float32),
      ],
      compiler_params=pltpu.CompilerParams(needs_layout_passes=False),
  )(row1)


def _sc_edge_agg_body(g_hbm, row_hbm, col_hbm, zero_hbm, out_hbm,
                      roww, colw, buf0, buf1, acc, semA, semB, semC, semD):
  c = lax.axis_index("c")
  s = lax.axis_index("s")
  wid = c * NS + s

  pltpu.sync_copy(zero_hbm, buf0)
  base = s * ROWS_PER_TILE
  nfull = ROWS_PER_TILE // CHUNK
  rem = ROWS_PER_TILE % CHUNK
  for k in range(nfull):
    pltpu.sync_copy(buf0, acc.at[pl.ds(base + k * CHUNK, CHUNK)])
  if rem:
    pltpu.sync_copy(buf0.at[pl.ds(0, rem)],
                    acc.at[pl.ds(base + nfull * CHUNK, rem)])
  plsc.subcore_barrier()

  def window(w, carry):
    pltpu.sync_copy(row_hbm.at[wid * NWIN + w], roww)
    pltpu.sync_copy(col_hbm.at[wid * NWIN + w], colw)
    pltpu.async_copy(g_hbm.at[roww.at[0]], buf0, semA)
    pltpu.async_copy(g_hbm.at[roww.at[1]], buf1, semB)

    def pair(k, carry2):
      p = 2 * k
      pltpu.make_async_copy(g_hbm.at[roww.at[p]], buf0, semA).wait()
      pltpu.async_copy(buf0, acc.at[colw.at[p]], semC, add=True)
      pltpu.make_async_copy(g_hbm.at[roww.at[p + 1]], buf1, semB).wait()
      pltpu.async_copy(buf1, acc.at[colw.at[p + 1]], semD, add=True)
      pltpu.make_async_copy(buf0, acc.at[colw.at[p]], semC).wait()
      pltpu.async_copy(g_hbm.at[roww.at[p + 2]], buf0, semA)
      pltpu.make_async_copy(buf1, acc.at[colw.at[p + 1]], semD).wait()
      pltpu.async_copy(g_hbm.at[roww.at[p + 3]], buf1, semB)
      return carry2
    lax.fori_loop(0, WCH // 2 - 1, pair, 0)

    last = WCH - 2
    pltpu.make_async_copy(g_hbm.at[roww.at[last]], buf0, semA).wait()
    pltpu.async_copy(buf0, acc.at[colw.at[last]], semC, add=True)
    pltpu.make_async_copy(g_hbm.at[roww.at[last + 1]], buf1, semB).wait()
    pltpu.async_copy(buf1, acc.at[colw.at[last + 1]], semD, add=True)
    pltpu.make_async_copy(buf0, acc.at[colw.at[last]], semC).wait()
    pltpu.make_async_copy(buf1, acc.at[colw.at[last + 1]], semD).wait()
    return carry
  lax.fori_loop(0, NWIN, window, 0)

  plsc.subcore_barrier()
  pltpu.sync_copy(acc.at[pl.ds(base, ROWS_PER_TILE)],
                  out_hbm.at[pl.ds(c * ACC_ROWS + base, ROWS_PER_TILE)])


def _sc_edge_agg(g_flat, row2, col2, zeros128):
  return pl.kernel(
      _sc_edge_agg_body,
      out_type=jax.ShapeDtypeStruct((NC * ACC_ROWS, CH), jnp.float32),
      mesh=_sc_mesh(),
      scratch_types=[
          pltpu.VMEM((WCH, CHUNK), jnp.int32),
          pltpu.VMEM((WCH, CHUNK), jnp.int32),
          pltpu.VMEM((CHUNK, CH), jnp.float32),
          pltpu.VMEM((CHUNK, CH), jnp.float32),
          pltpu.VMEM_SHARED((ACC_ROWS, CH), jnp.float32),
          pltpu.SemaphoreType.DMA,
          pltpu.SemaphoreType.DMA,
          pltpu.SemaphoreType.DMA,
          pltpu.SemaphoreType.DMA,
      ],
      compiler_params=pltpu.CompilerParams(needs_layout_passes=False),
  )(g_flat, row2, col2, zeros128)


def _full(shape):
  return pl.BlockSpec(shape, lambda i: (0,) * len(shape))


def _tca1_body(x_ref, w1a_ref, b1a_ref, w1b_ref, b1b_ref,
               w1c_ref, b1c_ref, h1_ref):
  x = x_ref[...]
  p = x @ w1a_ref[...] + b1a_ref[...]
  q = jax.nn.sigmoid(x @ w1b_ref[...] + b1b_ref[...])
  r = x @ w1c_ref[...] + b1c_ref[...]
  h1_ref[...] = jax.nn.relu(p * q + r)


def _tc_a1(x, w1a, b1a, w1b, b1b, w1c, b1c):
  return pl.pallas_call(
      _tca1_body,
      grid=(GRID,),
      in_specs=[
          pl.BlockSpec((BLK, C), lambda i: (i, 0)),
          _full((C, C)), _full((1, C)),
          _full((C, C)), _full((1, C)),
          _full((C, C)), _full((1, C)),
      ],
      out_specs=pl.BlockSpec((BLK, C), lambda i: (i, 0)),
      out_shape=jax.ShapeDtypeStruct((N, C), jnp.float32),
  )(x, w1a, b1a, w1b, b1b, w1c, b1c)


def _tca2_body(h1_ref, degs_ref, g2_ref, dis_ref):
  h1 = h1_ref[...]
  d = lax.dot_general(degs_ref[...], jnp.ones((NW, 1), jnp.float32),
                      (((1,), (0,)), ((), ())))
  dis = jnp.where(d > 0, lax.rsqrt(jnp.where(d > 0, d, 1.0)), 0.0)
  dis_ref[...] = dis
  g = dis * h1
  g2_ref[0, :, :] = g[:, :CH]
  g2_ref[1, :, :] = g[:, CH:]


def _tc_a2(h1, degs):
  return pl.pallas_call(
      _tca2_body,
      grid=(GRID2,),
      in_specs=[
          pl.BlockSpec((BLK2, C), lambda i: (i, 0)),
          pl.BlockSpec((BLK2, NW), lambda i: (i, 0)),
      ],
      out_specs=[
          pl.BlockSpec((NC, BLK2, CH), lambda i: (0, i, 0)),
          pl.BlockSpec((BLK2, 1), lambda i: (i, 0)),
      ],
      out_shape=[
          jax.ShapeDtypeStruct((NC, N, CH), jnp.float32),
          jax.ShapeDtypeStruct((N, 1), jnp.float32),
      ],
  )(h1, degs)


def _tcb1_body(h1_ref, th0_ref, cb_ref, u_ref):
  u_ref[...] = h1_ref[...] @ th0_ref[...] + cb_ref[...]


def _tc_b1(h1, th0, cb):
  return pl.pallas_call(
      _tcb1_body,
      grid=(GRID,),
      in_specs=[
          pl.BlockSpec((BLK, C), lambda i: (i, 0)),
          _full((C, C)), _full((1, C)),
      ],
      out_specs=pl.BlockSpec((BLK, C), lambda i: (i, 0)),
      out_shape=jax.ShapeDtypeStruct((N, C), jnp.float32),
  )(h1, th0, cb)


def _tcb2_body(u_ref, t2_ref, dis_ref, th1_ref,
               w2a_ref, b2a_ref, w2b_ref, b2b_ref, w2c_ref, b2c_ref,
               gamma_ref, beta_ref, wl_ref, bl_ref, out_ref):
  dis = dis_ref[...]
  t = jnp.concatenate([t2_ref[0, :, :], t2_ref[1, :, :]], axis=1)
  tx1 = (-dis) * t
  h2 = jax.nn.relu(u_ref[...] + tx1 @ th1_ref[...])

  p = h2 @ w2a_ref[...] + b2a_ref[...]
  q = jax.nn.sigmoid(h2 @ w2b_ref[...] + b2b_ref[...])
  r = h2 @ w2c_ref[...] + b2c_ref[...]
  h3 = jax.nn.relu(p * q + r)

  mean = jnp.mean(h3, axis=1, keepdims=True)
  var = jnp.mean((h3 - mean) ** 2, axis=1, keepdims=True)
  hn = (h3 - mean) / jnp.sqrt(var + 1e-5) * gamma_ref[...] + beta_ref[...]
  h4 = jax.nn.relu(hn)
  out_ref[...] = (jnp.sum(h4 * wl_ref[...], axis=1, keepdims=True)
                  + bl_ref[...])


def _tc_b2(u, t2, dis, th1, w2a, b2a, w2b, b2b, w2c, b2c,
           gamma, beta, wl, bl):
  return pl.pallas_call(
      _tcb2_body,
      grid=(GRID,),
      in_specs=[
          pl.BlockSpec((BLK, C), lambda i: (i, 0)),
          pl.BlockSpec((NC, BLK, CH), lambda i: (0, i, 0)),
          pl.BlockSpec((BLK, 1), lambda i: (i, 0)),
          _full((C, C)),
          _full((C, C)), _full((1, C)),
          _full((C, C)), _full((1, C)),
          _full((C, C)), _full((1, C)),
          pl.BlockSpec((BLK, 1), lambda i: (i, 0)),
          pl.BlockSpec((BLK, 1), lambda i: (i, 0)),
          _full((1, C)), _full((1, 1)),
      ],
      out_specs=pl.BlockSpec((BLK, 1), lambda i: (i, 0)),
      out_shape=jax.ShapeDtypeStruct((N, 1), jnp.float32),
  )(u, t2, dis, th1, w2a, b2a, w2b, b2b, w2c, b2c, gamma, beta, wl, bl)


def kernel(x, edge_index, W1a, b1a, W1b, b1b, W1c, b1c, th0, th1, cb,
           W2a, b2a, W2b, b2b, W2c, b2c, gamma, beta, Wl, bl):
  row = edge_index[0]
  col = edge_index[1]

  row1 = jnp.concatenate(
      [row, jnp.full((NW * EPT1 - E,), DEG_DUMMY, jnp.int32)]
  ).reshape(NW, EPT1)
  degs = _sc_degree(row1)

  h1 = _tc_a1(x, W1a, b1a[None, :], W1b, b1b[None, :], W1c, b1c[None, :])
  g2, dis = _tc_a2(h1, degs.T)

  rowp = jnp.concatenate(
      [row, jnp.zeros((NS * EPT2 - E,), jnp.int32)]
  ).reshape(NS, NWIN, WCH, CHUNK)
  colp = jnp.concatenate(
      [col, jnp.full((NS * EPT2 - E,), COL_DUMMY, jnp.int32)]
  ).reshape(NS, NWIN, WCH, CHUNK)
  row2 = jnp.concatenate([rowp[None], rowp[None] + N], axis=0)
  row2 = row2.reshape(NW * NWIN, WCH, CHUNK)
  col2 = jnp.concatenate([colp[None], colp[None]], axis=0)
  col2 = col2.reshape(NW * NWIN, WCH, CHUNK)
  zeros128 = jnp.zeros((CHUNK, CH), jnp.float32)

  t_flat = _sc_edge_agg(g2.reshape(NC * N, CH), row2, col2, zeros128)
  t2 = t_flat.reshape(NC, ACC_ROWS, CH)

  u = _tc_b1(h1, th0, cb[None, :])
  return _tc_b2(u, t2, dis, th1,
                W2a, b2a[None, :], W2b, b2b[None, :], W2c, b2c[None, :],
                gamma[:, None], beta[:, None], Wl.reshape(1, C),
                bl.reshape(1, 1))

# --- scband reference (transcript-rebuilt; emitter-appended) ---
"""Pipeline reference for scband-stgcn-28114855919853 (READ-ONLY COPY).

The authoritative reference and input builder live on the scoring server;
editing this copy changes nothing except your own understanding.
"""

import jax, jax.numpy as jnp
import numpy as np

N = 10000
E = 160000
C_IN = 256
C_H = 256


def setup_inputs(seed: int = 0) -> dict:
    key = jax.random.key(seed)
    ks = jax.random.split(key, 24)
    s = 0.05
    inp = {}
    inp['x'] = jax.random.normal(ks[0], (N, C_IN), dtype=jnp.float32)
    inp['edge_index'] = jax.random.randint(ks[1], (2, E), 0, N, dtype=jnp.int32)
    # TemporalConv1 (kernel (1,1) Conv2d == pointwise linear), gated: P*sigmoid(Q)+R
    inp['W1a'] = s * jax.random.normal(ks[2], (C_IN, C_H), dtype=jnp.float32)
    inp['b1a'] = jnp.zeros((C_H,), jnp.float32)
    inp['W1b'] = s * jax.random.normal(ks[3], (C_IN, C_H), dtype=jnp.float32)
    inp['b1b'] = jnp.zeros((C_H,), jnp.float32)
    inp['W1c'] = s * jax.random.normal(ks[4], (C_IN, C_H), dtype=jnp.float32)
    inp['b1c'] = jnp.zeros((C_H,), jnp.float32)
    # ChebConv K=2 weights
    inp['th0'] = s * jax.random.normal(ks[5], (C_H, C_H), dtype=jnp.float32)
    inp['th1'] = s * jax.random.normal(ks[6], (C_H, C_H), dtype=jnp.float32)
    inp['cb'] = jnp.zeros((C_H,), jnp.float32)
    # TemporalConv2
    inp['W2a'] = s * jax.random.normal(ks[7], (C_H, C_H), dtype=jnp.float32)
    inp['b2a'] = jnp.zeros((C_H,), jnp.float32)
    inp['W2b'] = s * jax.random.normal(ks[8], (C_H, C_H), dtype=jnp.float32)
    inp['b2b'] = jnp.zeros((C_H,), jnp.float32)
    inp['W2c'] = s * jax.random.normal(ks[9], (C_H, C_H), dtype=jnp.float32)
    inp['b2c'] = jnp.zeros((C_H,), jnp.float32)
    # BatchNorm2d(num_nodes): per-node affine params
    inp['gamma'] = jnp.ones((N,), jnp.float32)
    inp['beta'] = jnp.zeros((N,), jnp.float32)
    # Final linear (out=1, regression)
    inp['Wl'] = s * jax.random.normal(ks[10], (C_H, 1), dtype=jnp.float32)
    inp['bl'] = jnp.zeros((1,), jnp.float32)
    return inp


def _tconv(h, Wa, ba, Wb, bb, Wc, bc):
    # TemporalConv with kernel_size=1 on (B=1, T=1, N, C): pointwise gated conv
    P = h @ Wa + ba
    Q = jax.nn.sigmoid(h @ Wb + bb)
    R = h @ Wc + bc
    return jax.nn.relu(P * Q + R)


def _cheb(h, edge_index, th0, th1, cb):
    # ChebConv(K=2, sym norm, lambda_max=2): L_hat = -D^{-1/2} A D^{-1/2}
    row = edge_index[0]
    col = edge_index[1]
    deg = jax.ops.segment_sum(jnp.ones((E,), jnp.float32), row, num_segments=N)
    dis = jnp.where(deg > 0, 1.0 / jnp.sqrt(jnp.where(deg > 0, deg, 1.0)), 0.0)
    w = -dis[row] * dis[col]
    Tx1 = jnp.zeros_like(h).at[col].add(w[:, None] * h[row])
    return h @ th0 + Tx1 @ th1 + cb


def reference(x, edge_index, W1a, b1a, W1b, b1b, W1c, b1c, th0, th1, cb,
              W2a, b2a, W2b, b2b, W2c, b2c, gamma, beta, Wl, bl):
    h = _tconv(x, W1a, b1a, W1b, b1b, W1c, b1c)
    h = _cheb(h, edge_index, th0, th1, cb)
    h = jax.nn.relu(h)
    h = _tconv(h, W2a, b2a, W2b, b2b, W2c, b2c)
    # BatchNorm2d(num_nodes) on (1, N, 1, C): per-node stats over channel dim
    mean = jnp.mean(h, axis=1, keepdims=True)
    var = jnp.mean((h - mean) ** 2, axis=1, keepdims=True)
    h = (h - mean) / jnp.sqrt(var + 1e-5) * gamma[:, None] + beta[:, None]
    h = jax.nn.relu(h)
    return h @ Wl + bl

if __name__ == "__main__":
    import jax
    _d = setup_inputs()
    print(jax.jit(kernel)(*tuple(_d.values())))

</pallas_src>

<mosaic_0001>
#map = affine_map<(d0, d1) -> (0, 0)>
module attributes {stable_mosaic.version = 14 : i64} {
  func.func @_sc_degree_body(%arg0: i32, %arg1: i32, %arg2: memref<32x5008xi32, #tpu.memory_space<hbm>>, %arg3: memref<32x10240xf32, #tpu.memory_space<hbm>>, %arg4: memref<5008xi32, #tpu.memory_space<vmem>>, %arg5: memref<10240xf32, #tpu.memory_space<vmem>>) attributes {dimension_semantics = [#tpu.dimension_semantics<core_parallel>, #tpu.dimension_semantics<subcore_parallel>], iteration_bounds = array<i64: 2, 16>, scalar_prefetch = 0 : i64, scratch_operands = 2 : i64, tpu.core_type = #tpu.core_type<sc_vector_subcore>, window_params = [{transform_indices = #map}, {transform_indices = #map}]} {
    %mul3A = arith.constant 16 : i32
    %mul3A_0 = arith.muli %arg0, %mul3A : i32
    %add3A = arith.addi %mul3A_0, %arg1 : i32
    "tpu.region"() ({
      %run_scoped3A = tpu.sem_alloc : memref<!tpu.dma_semaphore, #tpu.memory_space<semaphore_mem>>
      %dma_start3A = arith.constant 0 : i32
      %dma_start3A_13 = tpu.memref_slice %arg2[%add3A, %dma_start3A] : memref<32x5008xi32, #tpu.memory_space<hbm>> -> memref<1x5008xi32, #tpu.memory_space<hbm>>
      %dma_start3A_14 = tpu.memref_squeeze %dma_start3A_13 : memref<1x5008xi32, #tpu.memory_space<hbm>> -> memref<5008xi32, #tpu.memory_space<hbm>>
      %dma_start3A_15 = arith.constant 0 : i32
      %dma_start3A_16 = tpu.memref_slice %arg2[%add3A, %dma_start3A_15] : memref<32x5008xi32, #tpu.memory_space<hbm>> -> memref<1x5008xi32, #tpu.memory_space<hbm>>
      %dma_start3A_17 = tpu.memref_squeeze %dma_start3A_16 : memref<1x5008xi32, #tpu.memory_space<hbm>> -> memref<5008xi32, #tpu.memory_space<hbm>>
      tpu.enqueue_dma source(%dma_start3A_17 : memref<5008xi32, #tpu.memory_space<hbm>>) target(%arg4 : memref<5008xi32, #tpu.memory_space<vmem>>) target_semaphore(%run_scoped3A : memref<!tpu.dma_semaphore, #tpu.memory_space<semaphore_mem>>)
      %dma_wait3A = arith.constant 0 : i32
      %dma_wait3A_18 = tpu.memref_slice %arg2[%add3A, %dma_wait3A] : memref<32x5008xi32, #tpu.memory_space<hbm>> -> memref<1x5008xi32, #tpu.memory_space<hbm>>
      %dma_wait3A_19 = tpu.memref_squeeze %dma_wait3A_18 : memref<1x5008xi32, #tpu.memory_space<hbm>> -> memref<5008xi32, #tpu.memory_space<hbm>>
      %dma_wait3A_20 = arith.constant 0 : i32
      %dma_wait3A_21 = tpu.memref_slice %arg2[%add3A, %dma_wait3A_20] : memref<32x5008xi32, #tpu.memory_space<hbm>> -> memref<1x5008xi32, #tpu.memory_space<hbm>>
      %dma_wait3A_22 = tpu.memref_squeeze %dma_wait3A_21 : memref<1x5008xi32, #tpu.memory_space<hbm>> -> memref<5008xi32, #tpu.memory_space<hbm>>
      tpu.wait_dma2 semaphore(%run_scoped3A : memref<!tpu.dma_semaphore, #tpu.memory_space<semaphore_mem>>) src(%dma_wait3A_22 : memref<5008xi32, #tpu.memory_space<hbm>>) dst(%arg4 : memref<5008xi32, #tpu.memory_space<vmem>>)
      tpu.yield
    }) : () -> ()
    %scan3A = arith.constant 0 : i32
    %scan3A_1 = arith.constant 0 : i32
    %scan3A_2 = arith.constant 640 : i32
    %scan3A_3 = arith.addi %scan3A_1, %scan3A_2 : i32
    %scan3A_4 = arith.constant 1 : i32
    scf.for %scan3A_13 = %scan3A_1 to %scan3A_3 step %scan3A_4  : i32 {
      %broadcast_in_dim3A_14 = arith.constant 0.000000e+00 : f32
      %broadcast_in_dim3A_15 = vector.broadcast %broadcast_in_dim3A_14 : f32 to vector<16xf32>
      %mul3A_16 = arith.constant 16 : i32
      %mul3A_17 = arith.muli %scan3A_13, %mul3A_16 : i32
      %swap3A = arith.index_cast %mul3A_17 : i32 to index
      %swap3A_18 = tpu.vector_load %arg5[%swap3A] {strides = array<i32>} : memref<10240xf32, #tpu.memory_space<vmem>>, vector<16xf32>,
      tpu.vector_store %arg5[%swap3A], %broadcast_in_dim3A_15 {strides = array<i32>} : memref<10240xf32, #tpu.memory_space<vmem>>, vector<16xf32>,
    }
    %scan3A_5 = arith.constant 640 : i32
    %broadcast_in_dim3A = arith.constant 1.000000e+00 : f32
    %broadcast_in_dim3A_6 = vector.broadcast %broadcast_in_dim3A : f32 to vector<16xf32>
    %scan3A_7 = arith.constant 0 : i32
    %scan3A_8 = arith.constant 0 : i32
    %scan3A_9 = arith.constant 313 : i32
    %scan3A_10 = arith.addi %scan3A_8, %scan3A_9 : i32
    %scan3A_11 = arith.constant 1 : i32
    scf.for %scan3A_13 = %scan3A_8 to %scan3A_10 step %scan3A_11  : i32 {
      %mul3A_14 = arith.constant 16 : i32
      %mul3A_15 = arith.muli %scan3A_13, %mul3A_14 : i32
      %get3A = arith.index_cast %mul3A_15 : i32 to index
      %get3A_16 = tpu.vector_load %arg4[%get3A] {strides = array<i32>} : memref<5008xi32, #tpu.memory_space<vmem>>, vector<16xi32>,
      tpu.vector_store_idx %arg5[%get3A_16], %broadcast_in_dim3A_6 {add = true} : memref<10240xf32, #tpu.memory_space<vmem>>[vector<16xi32>], vector<16xf32>,
    }
    %scan3A_12 = arith.constant 313 : i32
    "tpu.region"() ({
      %run_scoped3A = tpu.sem_alloc : memref<!tpu.dma_semaphore, #tpu.memory_space<semaphore_mem>>
      %dma_start3A = arith.constant 0 : i32
      %dma_start3A_13 = tpu.memref_slice %arg3[%add3A, %dma_start3A] : memref<32x10240xf32, #tpu.memory_space<hbm>> -> memref<1x10240xf32, #tpu.memory_space<hbm>>
      %dma_start3A_14 = tpu.memref_squeeze %dma_start3A_13 : memref<1x10240xf32, #tpu.memory_space<hbm>> -> memref<10240xf32, #tpu.memory_space<hbm>>
      %dma_start3A_15 = arith.constant 0 : i32
      %dma_start3A_16 = tpu.memref_slice %arg3[%add3A, %dma_start3A_15] : memref<32x10240xf32, #tpu.memory_space<hbm>> -> memref<1x10240xf32, #tpu.memory_space<hbm>>
      %dma_start3A_17 = tpu.memref_squeeze %dma_start3A_16 : memref<1x10240xf32, #tpu.memory_space<hbm>> -> memref<10240xf32, #tpu.memory_space<hbm>>
      tpu.enqueue_dma source(%arg5 : memref<10240xf32, #tpu.memory_space<vmem>>) target(%dma_start3A_17 : memref<10240xf32, #tpu.memory_space<hbm>>) target_semaphore(%run_scoped3A : memref<!tpu.dma_semaphore, #tpu.memory_space<semaphore_mem>>)
      %dma_wait3A = arith.constant 0 : i32
      %dma_wait3A_18 = tpu.memref_slice %arg3[%add3A, %dma_wait3A] : memref<32x10240xf32, #tpu.memory_space<hbm>> -> memref<1x10240xf32, #tpu.memory_space<hbm>>
      %dma_wait3A_19 = tpu.memref_squeeze %dma_wait3A_18 : memref<1x10240xf32, #tpu.memory_space<hbm>> -> memref<10240xf32, #tpu.memory_space<hbm>>
      %dma_wait3A_20 = arith.constant 0 : i32
      %dma_wait3A_21 = tpu.memref_slice %arg3[%add3A, %dma_wait3A_20] : memref<32x10240xf32, #tpu.memory_space<hbm>> -> memref<1x10240xf32, #tpu.memory_space<hbm>>
      %dma_wait3A_22 = tpu.memref_squeeze %dma_wait3A_21 : memref<1x10240xf32, #tpu.memory_space<hbm>> -> memref<10240xf32, #tpu.memory_space<hbm>>
      tpu.wait_dma2 semaphore(%run_scoped3A : memref<!tpu.dma_semaphore, #tpu.memory_space<semaphore_mem>>) src(%arg5 : memref<10240xf32, #tpu.memory_space<vmem>>) dst(%dma_wait3A_22 : memref<10240xf32, #tpu.memory_space<hbm>>)
      tpu.yield
    }) : () -> ()
    return
  }
}

#map = affine_map<(d0, d1) -> (0, 0)>
#map1 = affine_map<(d0, d1) -> (0, 0, 0)>
module attributes {stable_mosaic.version = 14 : i64} {
  func.func @_sc_edge_agg_body(%arg0: i32, %arg1: i32, %arg2: memref<20000x128xf32, #tpu.memory_space<hbm>>, %arg3: memref<64x40x128xi32, #tpu.memory_space<hbm>>, %arg4: memref<64x40x128xi32, #tpu.memory_space<hbm>>, %arg5: memref<128x128xf32, #tpu.memory_space<hbm>>, %arg6: memref<20480x128xf32, #tpu.memory_space<hbm>>, %arg7: memref<40x128xi32, #tpu.memory_space<vmem>>, %arg8: memref<40x128xi32, #tpu.memory_space<vmem>>, %arg9: memref<128x128xf32, #tpu.memory_space<vmem>>, %arg10: memref<128x128xf32, #tpu.memory_space<vmem>>, %arg11: memref<10240x128xf32, #tpu.memory_space<vmem_shared>>, %arg12: memref<!tpu.dma_semaphore, #tpu.memory_space<semaphore_mem>>, %arg13: memref<!tpu.dma_semaphore, #tpu.memory_space<semaphore_mem>>, %arg14: memref<!tpu.dma_semaphore, #tpu.memory_space<semaphore_mem>>, %arg15: memref<!tpu.dma_semaphore, #tpu.memory_space<semaphore_mem>>) attributes {dimension_semantics = [#tpu.dimension_semantics<core_parallel>, #tpu.dimension_semantics<subcore_parallel>], iteration_bounds = array<i64: 2, 16>, scalar_prefetch = 0 : i64, scratch_operands = 9 : i64, tpu.core_type = #tpu.core_type<sc_vector_subcore>, window_params = [{transform_indices = #map}, {transform_indices = #map1}, {transform_indices = #map1}, {transform_indices = #map}, {transform_indices = #map}]} {
    %mul3A = arith.constant 16 : i32
    %mul3A_0 = arith.muli %arg0, %mul3A : i32
    %add3A = arith.addi %mul3A_0, %arg1 : i32
    "tpu.region"() ({
      %run_scoped3A = tpu.sem_alloc : memref<!tpu.dma_semaphore, #tpu.memory_space<semaphore_mem>>
      tpu.enqueue_dma source(%arg5 : memref<128x128xf32, #tpu.memory_space<hbm>>) target(%arg9 : memref<128x128xf32, #tpu.memory_space<vmem>>) target_semaphore(%run_scoped3A : memref<!tpu.dma_semaphore, #tpu.memory_space<semaphore_mem>>)
      tpu.wait_dma2 semaphore(%run_scoped3A : memref<!tpu.dma_semaphore, #tpu.memory_space<semaphore_mem>>) src(%arg5 : memref<128x128xf32, #tpu.memory_space<hbm>>) dst(%arg9 : memref<128x128xf32, #tpu.memory_space<vmem>>)
      tpu.yield
    }) : () -> ()
    %mul3A_1 = arith.constant 640 : i32
    %mul3A_2 = arith.muli %arg1, %mul3A_1 : i32
    %add3A_3 = arith.constant 0 : i32
    %add3A_4 = arith.addi %mul3A_2, %add3A_3 : i32
    "tpu.region"() ({
      %run_scoped3A = tpu.sem_alloc : memref<!tpu.dma_semaphore, #tpu.memory_space<semaphore_mem>>
      %dma_start3A = arith.constant 0 : i32
      %dma_start3A_22 = tpu.memref_slice %arg11[%add3A_4, %dma_start3A] : memref<10240x128xf32, #tpu.memory_space<vmem_shared>> -> memref<128x128xf32, #tpu.memory_space<vmem_shared>>
      %dma_start3A_23 = arith.constant 0 : i32
      %dma_start3A_24 = tpu.memref_slice %arg11[%add3A_4, %dma_start3A_23] : memref<10240x128xf32, #tpu.memory_space<vmem_shared>> -> memref<128x128xf32, #tpu.memory_space<vmem_shared>>
      tpu.enqueue_dma source(%arg9 : memref<128x128xf32, #tpu.memory_space<vmem>>) target(%dma_start3A_24 : memref<128x128xf32, #tpu.memory_space<vmem_shared>>) target_semaphore(%run_scoped3A : memref<!tpu.dma_semaphore, #tpu.memory_space<semaphore_mem>>)
      %dma_wait3A = arith.constant 0 : i32
      %dma_wait3A_25 = tpu.memref_slice %arg11[%add3A_4, %dma_wait3A] : memref<10240x128xf32, #tpu.memory_space<vmem_shared>> -> memref<128x128xf32, #tpu.memory_space<vmem_shared>>
      %dma_wait3A_26 = arith.constant 0 : i32
      %dma_wait3A_27 = tpu.memref_slice %arg11[%add3A_4, %dma_wait3A_26] : memref<10240x128xf32, #tpu.memory_space<vmem_shared>> -> memref<128x128xf32, #tpu.memory_space<vmem_shared>>
      tpu.wait_dma2 semaphore(%run_scoped3A : memref<!tpu.dma_semaphore, #tpu.memory_space<semaphore_mem>>) src(%arg9 : memref<128x128xf32, #tpu.memory_space<vmem>>) dst(%dma_wait3A_27 : memref<128x128xf32, #tpu.memory_space<vmem_shared>>)
      tpu.yield
    }) : () -> ()
    %add3A_5 = arith.constant 128 : i32
    %add3A_6 = arith.addi %mul3A_2, %add3A_5 : i32
    "tpu.region"() ({
      %run_scoped3A = tpu.sem_alloc : memref<!tpu.dma_semaphore, #tpu.memory_space<semaphore_mem>>
      %dma_start3A = arith.constant 0 : i32
      %dma_start3A_22 = tpu.memref_slice %arg11[%add3A_6, %dma_start3A] : memref<10240x128xf32, #tpu.memory_space<vmem_shared>> -> memref<128x128xf32, #tpu.memory_space<vmem_shared>>
      %dma_start3A_23 = arith.constant 0 : i32
      %dma_start3A_24 = tpu.memref_slice %arg11[%add3A_6, %dma_start3A_23] : memref<10240x128xf32, #tpu.memory_space<vmem_shared>> -> memref<128x128xf32, #tpu.memory_space<vmem_shared>>
      tpu.enqueue_dma source(%arg9 : memref<128x128xf32, #tpu.memory_space<vmem>>) target(%dma_start3A_24 : memref<128x128xf32, #tpu.memory_space<vmem_shared>>) target_semaphore(%run_scoped3A : memref<!tpu.dma_semaphore, #tpu.memory_space<semaphore_mem>>)
      %dma_wait3A = arith.constant 0 : i32
      %dma_wait3A_25 = tpu.memref_slice %arg11[%add3A_6, %dma_wait3A] : memref<10240x128xf32, #tpu.memory_space<vmem_shared>> -> memref<128x128xf32, #tpu.memory_space<vmem_shared>>
      %dma_wait3A_26 = arith.constant 0 : i32
      %dma_wait3A_27 = tpu.memref_slice %arg11[%add3A_6, %dma_wait3A_26] : memref<10240x128xf32, #tpu.memory_space<vmem_shared>> -> memref<128x128xf32, #tpu.memory_space<vmem_shared>>
      tpu.wait_dma2 semaphore(%run_scoped3A : memref<!tpu.dma_semaphore, #tpu.memory_space<semaphore_mem>>) src(%arg9 : memref<128x128xf32, #tpu.memory_space<vmem>>) dst(%dma_wait3A_27 : memref<128x128xf32, #tpu.memory_space<vmem_shared>>)
      tpu.yield
    }) : () -> ()
    %add3A_7 = arith.constant 256 : i32
    %add3A_8 = arith.addi %mul3A_2, %add3A_7 : i32
    "tpu.region"() ({
      %run_scoped3A = tpu.sem_alloc : memref<!tpu.dma_semaphore, #tpu.memory_space<semaphore_mem>>
      %dma_start3A = arith.constant 0 : i32
      %dma_start3A_22 = tpu.memref_slice %arg11[%add3A_8, %dma_start3A] : memref<10240x128xf32, #tpu.memory_space<vmem_shared>> -> memref<128x128xf32, #tpu.memory_space<vmem_shared>>
      %dma_start3A_23 = arith.constant 0 : i32
      %dma_start3A_24 = tpu.memref_slice %arg11[%add3A_8, %dma_start3A_23] : memref<10240x128xf32, #tpu.memory_space<vmem_shared>> -> memref<128x128xf32, #tpu.memory_space<vmem_shared>>
      tpu.enqueue_dma source(%arg9 : memref<128x128xf32, #tpu.memory_space<vmem>>) target(%dma_start3A_24 : memref<128x128xf32, #tpu.memory_space<vmem_shared>>) target_semaphore(%run_scoped3A : memref<!tpu.dma_semaphore, #tpu.memory_space<semaphore_mem>>)
      %dma_wait3A = arith.constant 0 : i32
      %dma_wait3A_25 = tpu.memref_slice %arg11[%add3A_8, %dma_wait3A] : memref<10240x128xf32, #tpu.memory_space<vmem_shared>> -> memref<128x128xf32, #tpu.memory_space<vmem_shared>>
      %dma_wait3A_26 = arith.constant 0 : i32
      %dma_wait3A_27 = tpu.memref_slice %arg11[%add3A_8, %dma_wait3A_26] : memref<10240x128xf32, #tpu.memory_space<vmem_shared>> -> memref<128x128xf32, #tpu.memory_space<vmem_shared>>
      tpu.wait_dma2 semaphore(%run_scoped3A : memref<!tpu.dma_semaphore, #tpu.memory_space<semaphore_mem>>) src(%arg9 : memref<128x128xf32, #tpu.memory_space<vmem>>) dst(%dma_wait3A_27 : memref<128x128xf32, #tpu.memory_space<vmem_shared>>)
      tpu.yield
    }) : () -> ()
    %add3A_9 = arith.constant 384 : i32
    %add3A_10 = arith.addi %mul3A_2, %add3A_9 : i32
    "tpu.region"() ({
      %run_scoped3A = tpu.sem_alloc : memref<!tpu.dma_semaphore, #tpu.memory_space<semaphore_mem>>
      %dma_start3A = arith.constant 0 : i32
      %dma_start3A_22 = tpu.memref_slice %arg11[%add3A_10, %dma_start3A] : memref<10240x128xf32, #tpu.memory_space<vmem_shared>> -> memref<128x128xf32, #tpu.memory_space<vmem_shared>>
      %dma_start3A_23 = arith.constant 0 : i32
      %dma_start3A_24 = tpu.memref_slice %arg11[%add3A_10, %dma_start3A_23] : memref<10240x128xf32, #tpu.memory_space<vmem_shared>> -> memref<128x128xf32, #tpu.memory_space<vmem_shared>>
      tpu.enqueue_dma source(%arg9 : memref<128x128xf32, #tpu.memory_space<vmem>>) target(%dma_start3A_24 : memref<128x128xf32, #tpu.memory_space<vmem_shared>>) target_semaphore(%run_scoped3A : memref<!tpu.dma_semaphore, #tpu.memory_space<semaphore_mem>>)
      %dma_wait3A = arith.constant 0 : i32
      %dma_wait3A_25 = tpu.memref_slice %arg11[%add3A_10, %dma_wait3A] : memref<10240x128xf32, #tpu.memory_space<vmem_shared>> -> memref<128x128xf32, #tpu.memory_space<vmem_shared>>
      %dma_wait3A_26 = arith.constant 0 : i32
      %dma_wait3A_27 = tpu.memref_slice %arg11[%add3A_10, %dma_wait3A_26] : memref<10240x128xf32, #tpu.memory_space<vmem_shared>> -> memref<128x128xf32, #tpu.memory_space<vmem_shared>>
      tpu.wait_dma2 semaphore(%run_scoped3A : memref<!tpu.dma_semaphore, #tpu.memory_space<semaphore_mem>>) src(%arg9 : memref<128x128xf32, #tpu.memory_space<vmem>>) dst(%dma_wait3A_27 : memref<128x128xf32, #tpu.memory_space<vmem_shared>>)
      tpu.yield
    }) : () -> ()
    %add3A_11 = arith.constant 512 : i32
    %add3A_12 = arith.addi %mul3A_2, %add3A_11 : i32
    "tpu.region"() ({
      %run_scoped3A = tpu.sem_alloc : memref<!tpu.dma_semaphore, #tpu.memory_space<semaphore_mem>>
      %dma_start3A = arith.constant 0 : i32
      %dma_start3A_22 = tpu.memref_slice %arg11[%add3A_12, %dma_start3A] : memref<10240x128xf32, #tpu.memory_space<vmem_shared>> -> memref<128x128xf32, #tpu.memory_space<vmem_shared>>
      %dma_start3A_23 = arith.constant 0 : i32
      %dma_start3A_24 = tpu.memref_slice %arg11[%add3A_12, %dma_start3A_23] : memref<10240x128xf32, #tpu.memory_space<vmem_shared>> -> memref<128x128xf32, #tpu.memory_space<vmem_shared>>
      tpu.enqueue_dma source(%arg9 : memref<128x128xf32, #tpu.memory_space<vmem>>) target(%dma_start3A_24 : memref<128x128xf32, #tpu.memory_space<vmem_shared>>) target_semaphore(%run_scoped3A : memref<!tpu.dma_semaphore, #tpu.memory_space<semaphore_mem>>)
      %dma_wait3A = arith.constant 0 : i32
      %dma_wait3A_25 = tpu.memref_slice %arg11[%add3A_12, %dma_wait3A] : memref<10240x128xf32, #tpu.memory_space<vmem_shared>> -> memref<128x128xf32, #tpu.memory_space<vmem_shared>>
      %dma_wait3A_26 = arith.constant 0 : i32
      %dma_wait3A_27 = tpu.memref_slice %arg11[%add3A_12, %dma_wait3A_26] : memref<10240x128xf32, #tpu.memory_space<vmem_shared>> -> memref<128x128xf32, #tpu.memory_space<vmem_shared>>
      tpu.wait_dma2 semaphore(%run_scoped3A : memref<!tpu.dma_semaphore, #tpu.memory_space<semaphore_mem>>) src(%arg9 : memref<128x128xf32, #tpu.memory_space<vmem>>) dst(%dma_wait3A_27 : memref<128x128xf32, #tpu.memory_space<vmem_shared>>)
      tpu.yield
    }) : () -> ()
    %barrier3A = arith.constant 0 : index
    tpu.barrier barrier_id(%barrier3A)
    %scan3A = arith.constant 0 : i32
    %scan3A_13 = arith.constant 0 : i32
    %scan3A_14 = arith.constant 2 : i32
    %scan3A_15 = arith.addi %scan3A_13, %scan3A_14 : i32
    %scan3A_16 = arith.constant 1 : i32
    scf.for %scan3A_22 = %scan3A_13 to %scan3A_15 step %scan3A_16  : i32 {
      %mul3A_23 = arith.constant 2 : i32
      %mul3A_24 = arith.muli %add3A, %mul3A_23 : i32
      %add3A_25 = arith.addi %mul3A_24, %scan3A_22 : i32
      "tpu.region"() ({
        %run_scoped3A = tpu.sem_alloc : memref<!tpu.dma_semaphore, #tpu.memory_space<semaphore_mem>>
        %dma_start3A_89 = arith.constant 0 : i32
        %dma_start3A_90 = arith.constant 0 : i32
        %dma_start3A_91 = tpu.memref_slice %arg3[%add3A_25, %dma_start3A_89, %dma_start3A_90] : memref<64x40x128xi32, #tpu.memory_space<hbm>> -> memref<1x40x128xi32, #tpu.memory_space<hbm>>
        %dma_start3A_92 = tpu.memref_squeeze %dma_start3A_91 : memref<1x40x128xi32, #tpu.memory_space<hbm>> -> memref<40x128xi32, #tpu.memory_space<hbm>>
        %dma_start3A_93 = arith.constant 0 : i32
        %dma_start3A_94 = arith.constant 0 : i32
        %dma_start3A_95 = tpu.memref_slice %arg3[%add3A_25, %dma_start3A_93, %dma_start3A_94] : memref<64x40x128xi32, #tpu.memory_space<hbm>> -> memref<1x40x128xi32, #tpu.memory_space<hbm>>
        %dma_start3A_96 = tpu.memref_squeeze %dma_start3A_95 : memref<1x40x128xi32, #tpu.memory_space<hbm>> -> memref<40x128xi32, #tpu.memory_space<hbm>>
        tpu.enqueue_dma source(%dma_start3A_96 : memref<40x128xi32, #tpu.memory_space<hbm>>) target(%arg7 : memref<40x128xi32, #tpu.memory_space<vmem>>) target_semaphore(%run_scoped3A : memref<!tpu.dma_semaphore, #tpu.memory_space<semaphore_mem>>)
        %dma_wait3A_97 = arith.constant 0 : i32
        %dma_wait3A_98 = arith.constant 0 : i32
        %dma_wait3A_99 = tpu.memref_slice %arg3[%add3A_25, %dma_wait3A_97, %dma_wait3A_98] : memref<64x40x128xi32, #tpu.memory_space<hbm>> -> memref<1x40x128xi32, #tpu.memory_space<hbm>>
        %dma_wait3A_100 = tpu.memref_squeeze %dma_wait3A_99 : memref<1x40x128xi32, #tpu.memory_space<hbm>> -> memref<40x128xi32, #tpu.memory_space<hbm>>
        %dma_wait3A_101 = arith.constant 0 : i32
        %dma_wait3A_102 = arith.constant 0 : i32
        %dma_wait3A_103 = tpu.memref_slice %arg3[%add3A_25, %dma_wait3A_101, %dma_wait3A_102] : memref<64x40x128xi32, #tpu.memory_space<hbm>> -> memref<1x40x128xi32, #tpu.memory_space<hbm>>
        %dma_wait3A_104 = tpu.memref_squeeze %dma_wait3A_103 : memref<1x40x128xi32, #tpu.memory_space<hbm>> -> memref<40x128xi32, #tpu.memory_space<hbm>>
        tpu.wait_dma2 semaphore(%run_scoped3A : memref<!tpu.dma_semaphore, #tpu.memory_space<semaphore_mem>>) src(%dma_wait3A_104 : memref<40x128xi32, #tpu.memory_space<hbm>>) dst(%arg7 : memref<40x128xi32, #tpu.memory_space<vmem>>)
        tpu.yield
      }) : () -> ()
      %mul3A_26 = arith.constant 2 : i32
      %mul3A_27 = arith.muli %add3A, %mul3A_26 : i32
      %add3A_28 = arith.addi %mul3A_27, %scan3A_22 : i32
      "tpu.region"() ({
        %run_scoped3A = tpu.sem_alloc : memref<!tpu.dma_semaphore, #tpu.memory_space<semaphore_mem>>
        %dma_start3A_89 = arith.constant 0 : i32
        %dma_start3A_90 = arith.constant 0 : i32
        %dma_start3A_91 = tpu.memref_slice %arg4[%add3A_28, %dma_start3A_89, %dma_start3A_90] : memref<64x40x128xi32, #tpu.memory_space<hbm>> -> memref<1x40x128xi32, #tpu.memory_space<hbm>>
        %dma_start3A_92 = tpu.memref_squeeze %dma_start3A_91 : memref<1x40x128xi32, #tpu.memory_space<hbm>> -> memref<40x128xi32, #tpu.memory_space<hbm>>
        %dma_start3A_93 = arith.constant 0 : i32
        %dma_start3A_94 = arith.constant 0 : i32
        %dma_start3A_95 = tpu.memref_slice %arg4[%add3A_28, %dma_start3A_93, %dma_start3A_94] : memref<64x40x128xi32, #tpu.memory_space<hbm>> -> memref<1x40x128xi32, #tpu.memory_space<hbm>>
        %dma_start3A_96 = tpu.memref_squeeze %dma_start3A_95 : memref<1x40x128xi32, #tpu.memory_space<hbm>> -> memref<40x128xi32, #tpu.memory_space<hbm>>
        tpu.enqueue_dma source(%dma_start3A_96 : memref<40x128xi32, #tpu.memory_space<hbm>>) target(%arg8 : memref<40x128xi32, #tpu.memory_space<vmem>>) target_semaphore(%run_scoped3A : memref<!tpu.dma_semaphore, #tpu.memory_space<semaphore_mem>>)
        %dma_wait3A_97 = arith.constant 0 : i32
        %dma_wait3A_98 = arith.constant 0 : i32
        %dma_wait3A_99 = tpu.memref_slice %arg4[%add3A_28, %dma_wait3A_97, %dma_wait3A_98] : memref<64x40x128xi32, #tpu.memory_space<hbm>> -> memref<1x40x128xi32, #tpu.memory_space<hbm>>
        %dma_wait3A_100 = tpu.memref_squeeze %dma_wait3A_99 : memref<1x40x128xi32, #tpu.memory_space<hbm>> -> memref<40x128xi32, #tpu.memory_space<hbm>>
        %dma_wait3A_101 = arith.constant 0 : i32
        %dma_wait3A_102 = arith.constant 0 : i32
        %dma_wait3A_103 = tpu.memref_slice %arg4[%add3A_28, %dma_wait3A_101, %dma_wait3A_102] : memref<64x40x128xi32, #tpu.memory_space<hbm>> -> memref<1x40x128xi32, #tpu.memory_space<hbm>>
        %dma_wait3A_104 = tpu.memref_squeeze %dma_wait3A_103 : memref<1x40x128xi32, #tpu.memory_space<hbm>> -> memref<40x128xi32, #tpu.memory_space<hbm>>
        tpu.wait_dma2 semaphore(%run_scoped3A : memref<!tpu.dma_semaphore, #tpu.memory_space<semaphore_mem>>) src(%dma_wait3A_104 : memref<40x128xi32, #tpu.memory_space<hbm>>) dst(%arg8 : memref<40x128xi32, #tpu.memory_space<vmem>>)
        tpu.yield
      }) : () -> ()
      %dma_start3A = arith.constant 0 : i32
      %dma_start3A_29 = arith.constant 0 : i32
      %dma_start3A_30 = tpu.memref_slice %arg7[%dma_start3A, %dma_start3A_29] : memref<40x128xi32, #tpu.memory_space<vmem>> -> memref<1x128xi32, #tpu.memory_space<vmem>>
      %dma_start3A_31 = tpu.memref_squeeze %dma_start3A_30 : memref<1x128xi32, #tpu.memory_space<vmem>> -> memref<128xi32, #tpu.memory_space<vmem>>
      %dma_start3A_32 = arith.constant 0 : i32
      %dma_start3A_33 = arith.constant 0 : i32
      %dma_start3A_34 = tpu.memref_slice %arg2[%dma_start3A_32, %dma_start3A_33] : memref<20000x128xf32, #tpu.memory_space<hbm>> -> memref<20000x128xf32, #tpu.memory_space<hbm>>
      tpu.enqueue_indirect_dma source(%dma_start3A_34 : memref<20000x128xf32, #tpu.memory_space<hbm>>) target(%arg9 : memref<128x128xf32, #tpu.memory_space<vmem>>) offsets(%dma_start3A_31 : memref<128xi32, #tpu.memory_space<vmem>>) semaphore(%arg12 : memref<!tpu.dma_semaphore, #tpu.memory_space<semaphore_mem>>)
      %dma_start3A_35 = arith.constant 1 : i32
      %dma_start3A_36 = arith.constant 0 : i32
      %dma_start3A_37 = tpu.memref_slice %arg7[%dma_start3A_35, %dma_start3A_36] : memref<40x128xi32, #tpu.memory_space<vmem>> -> memref<1x128xi32, #tpu.memory_space<vmem>>
      %dma_start3A_38 = tpu.memref_squeeze %dma_start3A_37 : memref<1x128xi32, #tpu.memory_space<vmem>> -> memref<128xi32, #tpu.memory_space<vmem>>
      %dma_start3A_39 = arith.constant 0 : i32
      %dma_start3A_40 = arith.constant 0 : i32
      %dma_start3A_41 = tpu.memref_slice %arg2[%dma_start3A_39, %dma_start3A_40] : memref<20000x128xf32, #tpu.memory_space<hbm>> -> memref<20000x128xf32, #tpu.memory_space<hbm>>
      tpu.enqueue_indirect_dma source(%dma_start3A_41 : memref<20000x128xf32, #tpu.memory_space<hbm>>) target(%arg10 : memref<128x128xf32, #tpu.memory_space<vmem>>) offsets(%dma_start3A_38 : memref<128xi32, #tpu.memory_space<vmem>>) semaphore(%arg13 : memref<!tpu.dma_semaphore, #tpu.memory_space<semaphore_mem>>)
      %scan3A_42 = arith.constant 0 : i32
      %scan3A_43 = arith.constant 0 : i32
      %scan3A_44 = arith.constant 19 : i32
      %scan3A_45 = arith.addi %scan3A_43, %scan3A_44 : i32
      %scan3A_46 = arith.constant 1 : i32
      scf.for %scan3A_89 = %scan3A_43 to %scan3A_45 step %scan3A_46  : i32 {
        %mul3A_90 = arith.constant 2 : i32
        %mul3A_91 = arith.muli %mul3A_90, %scan3A_89 : i32
        %dma_wait3A_92 = arith.constant 0 : i32
        %dma_wait3A_93 = tpu.memref_slice %arg7[%mul3A_91, %dma_wait3A_92] : memref<40x128xi32, #tpu.memory_space<vmem>> -> memref<1x128xi32, #tpu.memory_space<vmem>>
        %dma_wait3A_94 = tpu.memref_squeeze %dma_wait3A_93 : memref<1x128xi32, #tpu.memory_space<vmem>> -> memref<128xi32, #tpu.memory_space<vmem>>
        %dma_wait3A_95 = arith.constant 0 : i32
        %dma_wait3A_96 = arith.constant 0 : i32
        %dma_wait3A_97 = tpu.memref_slice %arg2[%dma_wait3A_95, %dma_wait3A_96] : memref<20000x128xf32, #tpu.memory_space<hbm>> -> memref<20000x128xf32, #tpu.memory_space<hbm>>
        tpu.wait_indirect_dma semaphore(%arg12 : memref<!tpu.dma_semaphore, #tpu.memory_space<semaphore_mem>>) src(%dma_wait3A_97 : memref<20000x128xf32, #tpu.memory_space<hbm>>) dst(%arg9 : memref<128x128xf32, #tpu.memory_space<vmem>>)
        %dma_start3A_98 = arith.constant 0 : i32
        %dma_start3A_99 = tpu.memref_slice %arg8[%mul3A_91, %dma_start3A_98] : memref<40x128xi32, #tpu.memory_space<vmem>> -> memref<1x128xi32, #tpu.memory_space<vmem>>
        %dma_start3A_100 = tpu.memref_squeeze %dma_start3A_99 : memref<1x128xi32, #tpu.memory_space<vmem>> -> memref<128xi32, #tpu.memory_space<vmem>>
        %dma_start3A_101 = arith.constant 0 : i32
        %dma_start3A_102 = arith.constant 0 : i32
        %dma_start3A_103 = tpu.memref_slice %arg11[%dma_start3A_101, %dma_start3A_102] : memref<10240x128xf32, #tpu.memory_space<vmem_shared>> -> memref<10240x128xf32, #tpu.memory_space<vmem_shared>>
        tpu.enqueue_indirect_dma source(%arg9 : memref<128x128xf32, #tpu.memory_space<vmem>>) target(%dma_start3A_103 : memref<10240x128xf32, #tpu.memory_space<vmem_shared>>) offsets(%dma_start3A_100 : memref<128xi32, #tpu.memory_space<vmem>>) semaphore(%arg14 : memref<!tpu.dma_semaphore, #tpu.memory_space<semaphore_mem>>) {add = true}
        %add3A_104 = arith.constant 1 : i32
        %add3A_105 = arith.addi %mul3A_91, %add3A_104 : i32
        %dma_wait3A_106 = arith.constant 0 : i32
        %dma_wait3A_107 = tpu.memref_slice %arg7[%add3A_105, %dma_wait3A_106] : memref<40x128xi32, #tpu.memory_space<vmem>> -> memref<1x128xi32, #tpu.memory_space<vmem>>
        %dma_wait3A_108 = tpu.memref_squeeze %dma_wait3A_107 : memref<1x128xi32, #tpu.memory_space<vmem>> -> memref<128xi32, #tpu.memory_space<vmem>>
        %dma_wait3A_109 = arith.constant 0 : i32
        %dma_wait3A_110 = arith.constant 0 : i32
        %dma_wait3A_111 = tpu.memref_slice %arg2[%dma_wait3A_109, %dma_wait3A_110] : memref<20000x128xf32, #tpu.memory_space<hbm>> -> memref<20000x128xf32, #tpu.memory_space<hbm>>
        tpu.wait_indirect_dma semaphore(%arg13 : memref<!tpu.dma_semaphore, #tpu.memory_space<semaphore_mem>>) src(%dma_wait3A_111 : memref<20000x128xf32, #tpu.memory_space<hbm>>) dst(%arg10 : memref<128x128xf32, #tpu.memory_space<vmem>>)
        %add3A_112 = arith.constant 1 : i32
        %add3A_113 = arith.addi %mul3A_91, %add3A_112 : i32
        %dma_start3A_114 = arith.constant 0 : i32
        %dma_start3A_115 = tpu.memref_slice %arg8[%add3A_113, %dma_start3A_114] : memref<40x128xi32, #tpu.memory_space<vmem>> -> memref<1x128xi32, #tpu.memory_space<vmem>>
        %dma_start3A_116 = tpu.memref_squeeze %dma_start3A_115 : memref<1x128xi32, #tpu.memory_space<vmem>> -> memref<128xi32, #tpu.memory_space<vmem>>
        %dma_start3A_117 = arith.constant 0 : i32
        %dma_start3A_118 = arith.constant 0 : i32
        %dma_start3A_119 = tpu.memref_slice %arg11[%dma_start3A_117, %dma_start3A_118] : memref<10240x128xf32, #tpu.memory_space<vmem_shared>> -> memref<10240x128xf32, #tpu.memory_space<vmem_shared>>
        tpu.enqueue_indirect_dma source(%arg10 : memref<128x128xf32, #tpu.memory_space<vmem>>) target(%dma_start3A_119 : memref<10240x128xf32, #tpu.memory_space<vmem_shared>>) offsets(%dma_start3A_116 : memref<128xi32, #tpu.memory_space<vmem>>) semaphore(%arg15 : memref<!tpu.dma_semaphore, #tpu.memory_space<semaphore_mem>>) {add = true}
        %dma_wait3A_120 = arith.constant 0 : i32
        %dma_wait3A_121 = tpu.memref_slice %arg8[%mul3A_91, %dma_wait3A_120] : memref<40x128xi32, #tpu.memory_space<vmem>> -> memref<1x128xi32, #tpu.memory_space<vmem>>
        %dma_wait3A_122 = tpu.memref_squeeze %dma_wait3A_121 : memref<1x128xi32, #tpu.memory_space<vmem>> -> memref<128xi32, #tpu.memory_space<vmem>>
        %dma_wait3A_123 = arith.constant 0 : i32
        %dma_wait3A_124 = arith.constant 0 : i32
        %dma_wait3A_125 = tpu.memref_slice %arg11[%dma_wait3A_123, %dma_wait3A_124] : memref<10240x128xf32, #tpu.memory_space<vmem_shared>> -> memref<10240x128xf32, #tpu.memory_space<vmem_shared>>
        tpu.wait_indirect_dma semaphore(%arg14 : memref<!tpu.dma_semaphore, #tpu.memory_space<semaphore_mem>>) src(%arg9 : memref<128x128xf32, #tpu.memory_space<vmem>>) dst(%dma_wait3A_125 : memref<10240x128xf32, #tpu.memory_space<vmem_shared>>)
        %add3A_126 = arith.constant 2 : i32
        %add3A_127 = arith.addi %mul3A_91, %add3A_126 : i32
        %dma_start3A_128 = arith.constant 0 : i32
        %dma_start3A_129 = tpu.memref_slice %arg7[%add3A_127, %dma_start3A_128] : memref<40x128xi32, #tpu.memory_space<vmem>> -> memref<1x128xi32, #tpu.memory_space<vmem>>
        %dma_start3A_130 = tpu.memref_squeeze %dma_start3A_129 : memref<1x128xi32, #tpu.memory_space<vmem>> -> memref<128xi32, #tpu.memory_space<vmem>>
        %dma_start3A_131 = arith.constant 0 : i32
        %dma_start3A_132 = arith.constant 0 : i32
        %dma_start3A_133 = tpu.memref_slice %arg2[%dma_start3A_131, %dma_start3A_132] : memref<20000x128xf32, #tpu.memory_space<hbm>> -> memref<20000x128xf32, #tpu.memory_space<hbm>>
        tpu.enqueue_indirect_dma source(%dma_start3A_133 : memref<20000x128xf32, #tpu.memory_space<hbm>>) target(%arg9 : memref<128x128xf32, #tpu.memory_space<vmem>>) offsets(%dma_start3A_130 : memref<128xi32, #tpu.memory_space<vmem>>) semaphore(%arg12 : memref<!tpu.dma_semaphore, #tpu.memory_space<semaphore_mem>>)
        %add3A_134 = arith.constant 1 : i32
        %add3A_135 = arith.addi %mul3A_91, %add3A_134 : i32
        %dma_wait3A_136 = arith.constant 0 : i32
        %dma_wait3A_137 = tpu.memref_slice %arg8[%add3A_135, %dma_wait3A_136] : memref<40x128xi32, #tpu.memory_space<vmem>> -> memref<1x128xi32, #tpu.memory_space<vmem>>
        %dma_wait3A_138 = tpu.memref_squeeze %dma_wait3A_137 : memref<1x128xi32, #tpu.memory_space<vmem>> -> memref<128xi32, #tpu.memory_space<vmem>>
        %dma_wait3A_139 = arith.constant 0 : i32
        %dma_wait3A_140 = arith.constant 0 : i32
        %dma_wait3A_141 = tpu.memref_slice %arg11[%dma_wait3A_139, %dma_wait3A_140] : memref<10240x128xf32, #tpu.memory_space<vmem_shared>> -> memref<10240x128xf32, #tpu.memory_space<vmem_shared>>
        tpu.wait_indirect_dma semaphore(%arg15 : memref<!tpu.dma_semaphore, #tpu.memory_space<semaphore_mem>>) src(%arg10 : memref<128x128xf32, #tpu.memory_space<vmem>>) dst(%dma_wait3A_141 : memref<10240x128xf32, #tpu.memory_space<vmem_shared>>)
        %add3A_142 = arith.constant 3 : i32
        %add3A_143 = arith.addi %mul3A_91, %add3A_142 : i32
        %dma_start3A_144 = arith.constant 0 : i32
        %dma_start3A_145 = tpu.memref_slice %arg7[%add3A_143, %dma_start3A_144] : memref<40x128xi32, #tpu.memory_space<vmem>> -> memref<1x128xi32, #tpu.memory_space<vmem>>
        %dma_start3A_146 = tpu.memref_squeeze %dma_start3A_145 : memref<1x128xi32, #tpu.memory_space<vmem>> -> memref<128xi32, #tpu.memory_space<vmem>>
        %dma_start3A_147 = arith.constant 0 : i32
        %dma_start3A_148 = arith.constant 0 : i32
        %dma_start3A_149 = tpu.memref_slice %arg2[%dma_start3A_147, %dma_start3A_148] : memref<20000x128xf32, #tpu.memory_space<hbm>> -> memref<20000x128xf32, #tpu.memory_space<hbm>>
        tpu.enqueue_indirect_dma source(%dma_start3A_149 : memref<20000x128xf32, #tpu.memory_space<hbm>>) target(%arg10 : memref<128x128xf32, #tpu.memory_space<vmem>>) offsets(%dma_start3A_146 : memref<128xi32, #tpu.memory_space<vmem>>) semaphore(%arg13 : memref<!tpu.dma_semaphore, #tpu.memory_space<semaphore_mem>>)
      }
      %scan3A_47 = arith.constant 19 : i32
      %dma_wait3A = arith.constant 38 : i32
      %dma_wait3A_48 = arith.constant 0 : i32
      %dma_wait3A_49 = tpu.memref_slice %arg7[%dma_wait3A, %dma_wait3A_48] : memref<40x128xi32, #tpu.memory_space<vmem>> -> memref<1x128xi32, #tpu.memory_space<vmem>>
      %dma_wait3A_50 = tpu.memref_squeeze %dma_wait3A_49 : memref<1x128xi32, #tpu.memory_space<vmem>> -> memref<128xi32, #tpu.memory_space<vmem>>
      %dma_wait3A_51 = arith.constant 0 : i32
      %dma_wait3A_52 = arith.constant 0 : i32
      %dma_wait3A_53 = tpu.memref_slice %arg2[%dma_wait3A_51, %dma_wait3A_52] : memref<20000x128xf32, #tpu.memory_space<hbm>> -> memref<20000x128xf32, #tpu.memory_space<hbm>>
      tpu.wait_indirect_dma semaphore(%arg12 : memref<!tpu.dma_semaphore, #tpu.memory_space<semaphore_mem>>) src(%dma_wait3A_53 : memref<20000x128xf32, #tpu.memory_space<hbm>>) dst(%arg9 : memref<128x128xf32, #tpu.memory_space<vmem>>)
      %dma_start3A_54 = arith.constant 38 : i32
      %dma_start3A_55 = arith.constant 0 : i32
      %dma_start3A_56 = tpu.memref_slice %arg8[%dma_start3A_54, %dma_start3A_55] : memref<40x128xi32, #tpu.memory_space<vmem>> -> memref<1x128xi32, #tpu.memory_space<vmem>>
      %dma_start3A_57 = tpu.memref_squeeze %dma_start3A_56 : memref<1x128xi32, #tpu.memory_space<vmem>> -> memref<128xi32, #tpu.memory_space<vmem>>
      %dma_start3A_58 = arith.constant 0 : i32
      %dma_start3A_59 = arith.constant 0 : i32
      %dma_start3A_60 = tpu.memref_slice %arg11[%dma_start3A_58, %dma_start3A_59] : memref<10240x128xf32, #tpu.memory_space<vmem_shared>> -> memref<10240x128xf32, #tpu.memory_space<vmem_shared>>
      tpu.enqueue_indirect_dma source(%arg9 : memref<128x128xf32, #tpu.memory_space<vmem>>) target(%dma_start3A_60 : memref<10240x128xf32, #tpu.memory_space<vmem_shared>>) offsets(%dma_start3A_57 : memref<128xi32, #tpu.memory_space<vmem>>) semaphore(%arg14 : memref<!tpu.dma_semaphore, #tpu.memory_space<semaphore_mem>>) {add = true}
      %dma_wait3A_61 = arith.constant 39 : i32
      %dma_wait3A_62 = arith.constant 0 : i32
      %dma_wait3A_63 = tpu.memref_slice %arg7[%dma_wait3A_61, %dma_wait3A_62] : memref<40x128xi32, #tpu.memory_space<vmem>> -> memref<1x128xi32, #tpu.memory_space<vmem>>
      %dma_wait3A_64 = tpu.memref_squeeze %dma_wait3A_63 : memref<1x128xi32, #tpu.memory_space<vmem>> -> memref<128xi32, #tpu.memory_space<vmem>>
      %dma_wait3A_65 = arith.constant 0 : i32
      %dma_wait3A_66 = arith.constant 0 : i32
      %dma_wait3A_67 = tpu.memref_slice %arg2[%dma_wait3A_65, %dma_wait3A_66] : memref<20000x128xf32, #tpu.memory_space<hbm>> -> memref<20000x128xf32, #tpu.memory_space<hbm>>
      tpu.wait_indirect_dma semaphore(%arg13 : memref<!tpu.dma_semaphore, #tpu.memory_space<semaphore_mem>>) src(%dma_wait3A_67 : memref<20000x128xf32, #tpu.memory_space<hbm>>) dst(%arg10 : memref<128x128xf32, #tpu.memory_space<vmem>>)
      %dma_start3A_68 = arith.constant 39 : i32
      %dma_start3A_69 = arith.constant 0 : i32
      %dma_start3A_70 = tpu.memref_slice %arg8[%dma_start3A_68, %dma_start3A_69] : memref<40x128xi32, #tpu.memory_space<vmem>> -> memref<1x128xi32, #tpu.memory_space<vmem>>
      %dma_start3A_71 = tpu.memref_squeeze %dma_start3A_70 : memref<1x128xi32, #tpu.memory_space<vmem>> -> memref<128xi32, #tpu.memory_space<vmem>>
      %dma_start3A_72 = arith.constant 0 : i32
      %dma_start3A_73 = arith.constant 0 : i32
      %dma_start3A_74 = tpu.memref_slice %arg11[%dma_start3A_72, %dma_start3A_73] : memref<10240x128xf32, #tpu.memory_space<vmem_shared>> -> memref<10240x128xf32, #tpu.memory_space<vmem_shared>>
      tpu.enqueue_indirect_dma source(%arg10 : memref<128x128xf32, #tpu.memory_space<vmem>>) target(%dma_start3A_74 : memref<10240x128xf32, #tpu.memory_space<vmem_shared>>) offsets(%dma_start3A_71 : memref<128xi32, #tpu.memory_space<vmem>>) semaphore(%arg15 : memref<!tpu.dma_semaphore, #tpu.memory_space<semaphore_mem>>) {add = true}
      %dma_wait3A_75 = arith.constant 38 : i32
      %dma_wait3A_76 = arith.constant 0 : i32
      %dma_wait3A_77 = tpu.memref_slice %arg8[%dma_wait3A_75, %dma_wait3A_76] : memref<40x128xi32, #tpu.memory_space<vmem>> -> memref<1x128xi32, #tpu.memory_space<vmem>>
      %dma_wait3A_78 = tpu.memref_squeeze %dma_wait3A_77 : memref<1x128xi32, #tpu.memory_space<vmem>> -> memref<128xi32, #tpu.memory_space<vmem>>
      %dma_wait3A_79 = arith.constant 0 : i32
      %dma_wait3A_80 = arith.constant 0 : i32
      %dma_wait3A_81 = tpu.memref_slice %arg11[%dma_wait3A_79, %dma_wait3A_80] : memref<10240x128xf32, #tpu.memory_space<vmem_shared>> -> memref<10240x128xf32, #tpu.memory_space<vmem_shared>>
      tpu.wait_indirect_dma semaphore(%arg14 : memref<!tpu.dma_semaphore, #tpu.memory_space<semaphore_mem>>) src(%arg9 : memref<128x128xf32, #tpu.memory_space<vmem>>) dst(%dma_wait3A_81 : memref<10240x128xf32, #tpu.memory_space<vmem_shared>>)
      %dma_wait3A_82 = arith.constant 39 : i32
      %dma_wait3A_83 = arith.constant 0 : i32
      %dma_wait3A_84 = tpu.memref_slice %arg8[%dma_wait3A_82, %dma_wait3A_83] : memref<40x128xi32, #tpu.memory_space<vmem>> -> memref<1x128xi32, #tpu.memory_space<vmem>>
      %dma_wait3A_85 = tpu.memref_squeeze %dma_wait3A_84 : memref<1x128xi32, #tpu.memory_space<vmem>> -> memref<128xi32, #tpu.memory_space<vmem>>
      %dma_wait3A_86 = arith.constant 0 : i32
      %dma_wait3A_87 = arith.constant 0 : i32
      %dma_wait3A_88 = tpu.memref_slice %arg11[%dma_wait3A_86, %dma_wait3A_87] : memref<10240x128xf32, #tpu.memory_space<vmem_shared>> -> memref<10240x128xf32, #tpu.memory_space<vmem_shared>>
      tpu.wait_indirect_dma semaphore(%arg15 : memref<!tpu.dma_semaphore, #tpu.memory_space<semaphore_mem>>) src(%arg10 : memref<128x128xf32, #tpu.memory_space<vmem>>) dst(%dma_wait3A_88 : memref<10240x128xf32, #tpu.memory_space<vmem_shared>>)
    }
    %scan3A_17 = arith.constant 2 : i32
    %barrier3A_18 = arith.constant 0 : index
    tpu.barrier barrier_id(%barrier3A_18)
    %mul3A_19 = arith.constant 10240 : i32
    %mul3A_20 = arith.muli %arg0, %mul3A_19 : i32
    %add3A_21 = arith.addi %mul3A_20, %mul3A_2 : i32
    "tpu.region"() ({
      %run_scoped3A = tpu.sem_alloc : memref<!tpu.dma_semaphore, #tpu.memory_space<semaphore_mem>>
      %dma_start3A = arith.constant 0 : i32
      %dma_start3A_22 = tpu.memref_slice %arg6[%add3A_21, %dma_start3A] : memref<20480x128xf32, #tpu.memory_space<hbm>> -> memref<640x128xf32, #tpu.memory_space<hbm>>
      %dma_start3A_23 = arith.constant 0 : i32
      %dma_start3A_24 = tpu.memref_slice %arg11[%mul3A_2, %dma_start3A_23] : memref<10240x128xf32, #tpu.memory_space<vmem_shared>> -> memref<640x128xf32, #tpu.memory_space<vmem_shared>>
      tpu.enqueue_dma source(%dma_start3A_24 : memref<640x128xf32, #tpu.memory_space<vmem_shared>>) target(%dma_start3A_22 : memref<640x128xf32, #tpu.memory_space<hbm>>) target_semaphore(%run_scoped3A : memref<!tpu.dma_semaphore, #tpu.memory_space<semaphore_mem>>)
      %dma_wait3A = arith.constant 0 : i32
      %dma_wait3A_25 = tpu.memref_slice %arg6[%add3A_21, %dma_wait3A] : memref<20480x128xf32, #tpu.memory_space<hbm>> -> memref<640x128xf32, #tpu.memory_space<hbm>>
      %dma_wait3A_26 = arith.constant 0 : i32
      %dma_wait3A_27 = tpu.memref_slice %arg11[%mul3A_2, %dma_wait3A_26] : memref<10240x128xf32, #tpu.memory_space<vmem_shared>> -> memref<640x128xf32, #tpu.memory_space<vmem_shared>>
      tpu.wait_dma2 semaphore(%run_scoped3A : memref<!tpu.dma_semaphore, #tpu.memory_space<semaphore_mem>>) src(%dma_wait3A_27 : memref<640x128xf32, #tpu.memory_space<vmem_shared>>) dst(%dma_wait3A_25 : memref<640x128xf32, #tpu.memory_space<hbm>>)
      tpu.yield
    }) : () -> ()
    return
  }
}

module attributes {stable_mosaic.version = 14 : i64} {
  func.func @_tca1_body(%arg0: i32, %arg1: memref<1000x256xf32, #tpu.memory_space<vmem>>, %arg2: memref<256x256xf32, #tpu.memory_space<vmem>>, %arg3: memref<1x256xf32, #tpu.memory_space<vmem>>, %arg4: memref<256x256xf32, #tpu.memory_space<vmem>>, %arg5: memref<1x256xf32, #tpu.memory_space<vmem>>, %arg6: memref<256x256xf32, #tpu.memory_space<vmem>>, %arg7: memref<1x256xf32, #tpu.memory_space<vmem>>, %arg8: memref<1000x256xf32, #tpu.memory_space<vmem>>) attributes {dimension_semantics = [#tpu.dimension_semantics<arbitrary>], iteration_bounds = array<i64: 10>, scalar_prefetch = 0 : i64, scratch_operands = 0 : i64, tpu.core_type = #tpu.core_type<tc>, window_params = [{transform_indices = @transform_0, window_bounds = array<i64: 1000, 256>}, {pipeline_mode = #tpu.pipeline_mode<synchronous>, transform_indices = @transform_1, window_bounds = array<i64: 256, 256>}, {pipeline_mode = #tpu.pipeline_mode<synchronous>, transform_indices = @transform_2, window_bounds = array<i64: 1, 256>}, {pipeline_mode = #tpu.pipeline_mode<synchronous>, transform_indices = @transform_3, window_bounds = array<i64: 256, 256>}, {pipeline_mode = #tpu.pipeline_mode<synchronous>, transform_indices = @transform_4, window_bounds = array<i64: 1, 256>}, {pipeline_mode = #tpu.pipeline_mode<synchronous>, transform_indices = @transform_5, window_bounds = array<i64: 256, 256>}, {pipeline_mode = #tpu.pipeline_mode<synchronous>, transform_indices = @transform_6, window_bounds = array<i64: 1, 256>}, {transform_indices = @transform_7, window_bounds = array<i64: 1000, 256>}]} {
    %get3A = arith.constant 0 : index
    %get3A_0 = arith.constant 0 : index
    %get3A_1 = vector.load %arg1[%get3A, %get3A_0] : memref<1000x256xf32, #tpu.memory_space<vmem>>, vector<1000x256xf32>
    %get3A_2 = arith.constant 0 : index
    %get3A_3 = arith.constant 0 : index
    %get3A_4 = vector.load %arg2[%get3A_2, %get3A_3] : memref<256x256xf32, #tpu.memory_space<vmem>>, vector<256x256xf32>
    %dot_general3A = arith.constant dense<0.000000e+00> : vector<1000x256xf32>
    %dot_general3A_5 = tpu.matmul %get3A_1, %get3A_4, %dot_general3A {dimension_numbers = #tpu.dot_dimension_numbers<[1], [0], [0], [1], [0, 0, 1, 1], [], []>, transpose_lhs_hint = false} : vector<1000x256xf32>, vector<256x256xf32>, vector<1000x256xf32> -> vector<1000x256xf32>
    %get3A_6 = arith.constant 0 : index
    %get3A_7 = arith.constant 0 : index
    %get3A_8 = vector.load %arg3[%get3A_6, %get3A_7] : memref<1x256xf32, #tpu.memory_space<vmem>>, vector<1x256xf32>
    %add3A = vector.broadcast %get3A_8 : vector<1x256xf32> to vector<1000x256xf32>
    %add3A_9 = arith.addf %dot_general3A_5, %add3A : vector<1000x256xf32>
    %get3A_10 = arith.constant 0 : index
    %get3A_11 = arith.constant 0 : index
    %get3A_12 = vector.load %arg4[%get3A_10, %get3A_11] : memref<256x256xf32, #tpu.memory_space<vmem>>, vector<256x256xf32>
    %dot_general3A_13 = arith.constant dense<0.000000e+00> : vector<1000x256xf32>
    %dot_general3A_14 = tpu.matmul %get3A_1, %get3A_12, %dot_general3A_13 {dimension_numbers = #tpu.dot_dimension_numbers<[1], [0], [0], [1], [0, 0, 1, 1], [], []>, transpose_lhs_hint = false} : vector<1000x256xf32>, vector<256x256xf32>, vector<1000x256xf32> -> vector<1000x256xf32>
    %get3A_15 = arith.constant 0 : index
    %get3A_16 = arith.constant 0 : index
    %get3A_17 = vector.load %arg5[%get3A_15, %get3A_16] : memref<1x256xf32, #tpu.memory_space<vmem>>, vector<1x256xf32>
    %add3A_18 = vector.broadcast %get3A_17 : vector<1x256xf32> to vector<1000x256xf32>
    %add3A_19 = arith.addf %dot_general3A_14, %add3A_18 : vector<1000x256xf32>
    %logistic3A = arith.negf %add3A_19 : vector<1000x256xf32>
    %logistic3A_20 = math.exp %logistic3A : vector<1000x256xf32>
    %logistic3A_21 = arith.constant 1.000000e+00 : f32
    %logistic3A_22 = vector.broadcast %logistic3A_21 : f32 to vector<1000x256xf32>
    %logistic3A_23 = arith.addf %logistic3A_22, %logistic3A_20 : vector<1000x256xf32>
    %logistic3A_24 = arith.divf %logistic3A_22, %logistic3A_23 : vector<1000x256xf32>
    %get3A_25 = arith.constant 0 : index
    %get3A_26 = arith.constant 0 : index
    %get3A_27 = vector.load %arg6[%get3A_25, %get3A_26] : memref<256x256xf32, #tpu.memory_space<vmem>>, vector<256x256xf32>
    %dot_general3A_28 = arith.constant dense<0.000000e+00> : vector<1000x256xf32>
    %dot_general3A_29 = tpu.matmul %get3A_1, %get3A_27, %dot_general3A_28 {dimension_numbers = #tpu.dot_dimension_numbers<[1], [0], [0], [1], [0, 0, 1, 1], [], []>, transpose_lhs_hint = false} : vector<1000x256xf32>, vector<256x256xf32>, vector<1000x256xf32> -> vector<1000x256xf32>
    %get3A_30 = arith.constant 0 : index
    %get3A_31 = arith.constant 0 : index
    %get3A_32 = vector.load %arg7[%get3A_30, %get3A_31] : memref<1x256xf32, #tpu.memory_space<vmem>>, vector<1x256xf32>
    %add3A_33 = vector.broadcast %get3A_32 : vector<1x256xf32> to vector<1000x256xf32>
    %add3A_34 = arith.addf %dot_general3A_29, %add3A_33 : vector<1000x256xf32>
    %mul3A = arith.mulf %add3A_9, %logistic3A_24 : vector<1000x256xf32>
    %add3A_35 = arith.addf %mul3A, %add3A_34 : vector<1000x256xf32>
    %max3A = arith.constant 0.000000e+00 : f32
    %max3A_36 = vector.broadcast %max3A : f32 to vector<1000x256xf32>
    %max3A_37 = arith.maximumf %add3A_35, %max3A_36 : vector<1000x256xf32>
    %swap3A = arith.constant 0 : index
    %swap3A_38 = arith.constant 0 : index
    %swap3A_39 = vector.load %arg8[%swap3A, %swap3A_38] : memref<1000x256xf32, #tpu.memory_space<vmem>>, vector<1000x256xf32>
    tpu.vector_store %arg8[%swap3A, %swap3A_38], %max3A_37 {strides = array<i32>} : memref<1000x256xf32, #tpu.memory_space<vmem>>, vector<1000x256xf32>,
    return
  }
  func.func @transform_0(%arg0: i32) -> (i32, i32) {
    %c0_i32 = arith.constant 0 : i32
    %c0_i32_0 = arith.constant 0 : i32
    return %arg0, %c0_i32 : i32, i32
  }
  func.func @transform_1(%arg0: i32) -> (i32, i32) {
    %c0_i32 = arith.constant 0 : i32
    %c0_i32_0 = arith.constant 0 : i32
    %c0_i32_1 = arith.constant 0 : i32
    return %c0_i32, %c0_i32_0 : i32, i32
  }
  func.func @transform_2(%arg0: i32) -> (i32, i32) {
    %c0_i32 = arith.constant 0 : i32
    %c0_i32_0 = arith.constant 0 : i32
    %c0_i32_1 = arith.constant 0 : i32
    return %c0_i32, %c0_i32_0 : i32, i32
  }
  func.func @transform_3(%arg0: i32) -> (i32, i32) {
    %c0_i32 = arith.constant 0 : i32
    %c0_i32_0 = arith.constant 0 : i32
    %c0_i32_1 = arith.constant 0 : i32
    return %c0_i32, %c0_i32_0 : i32, i32
  }
  func.func @transform_4(%arg0: i32) -> (i32, i32) {
    %c0_i32 = arith.constant 0 : i32
    %c0_i32_0 = arith.constant 0 : i32
    %c0_i32_1 = arith.constant 0 : i32
    return %c0_i32, %c0_i32_0 : i32, i32
  }
  func.func @transform_5(%arg0: i32) -> (i32, i32) {
    %c0_i32 = arith.constant 0 : i32
    %c0_i32_0 = arith.constant 0 : i32
    %c0_i32_1 = arith.constant 0 : i32
    return %c0_i32, %c0_i32_0 : i32, i32
  }
  func.func @transform_6(%arg0: i32) -> (i32, i32) {
    %c0_i32 = arith.constant 0 : i32
    %c0_i32_0 = arith.constant 0 : i32
    %c0_i32_1 = arith.constant 0 : i32
    return %c0_i32, %c0_i32_0 : i32, i32
  }
  func.func @transform_7(%arg0: i32) -> (i32, i32) {
    %c0_i32 = arith.constant 0 : i32
    %c0_i32_0 = arith.constant 0 : i32
    return %arg0, %c0_i32 : i32, i32
  }
}

module attributes {stable_mosaic.version = 14 : i64} {
  func.func @_tca2_body(%arg0: i32, %arg1: memref<2000x256xf32, #tpu.memory_space<vmem>>, %arg2: memref<2000x32xf32, #tpu.memory_space<vmem>>, %arg3: memref<2x2000x128xf32, #tpu.memory_space<vmem>>, %arg4: memref<2000x1xf32, #tpu.memory_space<vmem>>) attributes {dimension_semantics = [#tpu.dimension_semantics<arbitrary>], iteration_bounds = array<i64: 5>, scalar_prefetch = 0 : i64, scratch_operands = 0 : i64, tpu.core_type = #tpu.core_type<tc>, window_params = [{transform_indices = @transform_0, window_bounds = array<i64: 2000, 256>}, {transform_indices = @transform_1, window_bounds = array<i64: 2000, 32>}, {transform_indices = @transform_2, window_bounds = array<i64: 2, 2000, 128>}, {transform_indices = @transform_3, window_bounds = array<i64: 2000, 1>}]} {
    %get3A = arith.constant 0 : index
    %get3A_0 = arith.constant 0 : index
    %get3A_1 = vector.load %arg1[%get3A, %get3A_0] : memref<2000x256xf32, #tpu.memory_space<vmem>>, vector<2000x256xf32>
    %get3A_2 = arith.constant 0 : index
    %get3A_3 = arith.constant 0 : index
    %get3A_4 = vector.load %arg2[%get3A_2, %get3A_3] : memref<2000x32xf32, #tpu.memory_space<vmem>>, vector<2000x32xf32>
    %broadcast_in_dim3A = arith.constant 1.000000e+00 : f32
    %broadcast_in_dim3A_5 = vector.broadcast %broadcast_in_dim3A : f32 to vector<32x1xf32>
    %dot_general3A = arith.constant dense<0.000000e+00> : vector<2000x1xf32>
    %dot_general3A_6 = tpu.matmul %get3A_4, %broadcast_in_dim3A_5, %dot_general3A {dimension_numbers = #tpu.dot_dimension_numbers<[1], [0], [0], [1], [0, 0, 1, 1], [], []>, transpose_lhs_hint = false} : vector<2000x32xf32>, vector<32x1xf32>, vector<2000x1xf32> -> vector<2000x1xf32>
    %gt3A = arith.constant 0.000000e+00 : f32
    %gt3A_7 = vector.broadcast %gt3A : f32 to vector<2000x1xf32>
    %gt3A_8 = arith.cmpf ogt, %dot_general3A_6, %gt3A_7 : vector<2000x1xf32>
    %gt3A_9 = arith.constant 0.000000e+00 : f32
    %gt3A_10 = vector.broadcast %gt3A_9 : f32 to vector<2000x1xf32>
    %gt3A_11 = arith.cmpf ogt, %dot_general3A_6, %gt3A_10 : vector<2000x1xf32>
    %jit3A = arith.constant 1.000000e+00 : f32
    %broadcast_in_dim3A_12 = vector.broadcast %jit3A : f32 to vector<2000x1xf32>
    %select_n3A = arith.select %gt3A_11, %dot_general3A_6, %broadcast_in_dim3A_12 : vector<2000x1xi1>, vector<2000x1xf32>
    %rsqrt3A = math.rsqrt %select_n3A : vector<2000x1xf32>
    %jit3A_13 = arith.constant 0.000000e+00 : f32
    %broadcast_in_dim3A_14 = vector.broadcast %jit3A_13 : f32 to vector<2000x1xf32>
    %select_n3A_15 = arith.select %gt3A_8, %rsqrt3A, %broadcast_in_dim3A_14 : vector<2000x1xi1>, vector<2000x1xf32>
    %swap3A = arith.constant 0 : index
    %swap3A_16 = arith.constant 0 : index
    %swap3A_17 = vector.load %arg4[%swap3A, %swap3A_16] : memref<2000x1xf32, #tpu.memory_space<vmem>>, vector<2000x1xf32>
    tpu.vector_store %arg4[%swap3A, %swap3A_16], %select_n3A_15 {strides = array<i32>} : memref<2000x1xf32, #tpu.memory_space<vmem>>, vector<2000x1xf32>,
    %mul3A = vector.broadcast %select_n3A_15 : vector<2000x1xf32> to vector<2000x256xf32>
    %mul3A_18 = arith.mulf %mul3A, %get3A_1 : vector<2000x256xf32>
    %slice3A = vector.extract_strided_slice %mul3A_18 {offsets = [0, 0], sizes = [2000, 128], strides = [1, 1]} : vector<2000x256xf32> to vector<2000x128xf32>
    %swap3A_19 = arith.constant 0 : index
    %swap3A_20 = arith.constant 0 : index
    %swap3A_21 = arith.constant 0 : index
    %swap3A_22 = vector.load %arg3[%swap3A_19, %swap3A_20, %swap3A_21] : memref<2x2000x128xf32, #tpu.memory_space<vmem>>, vector<1x2000x128xf32>
    %swap3A_23 = vector.shape_cast %swap3A_22 : vector<1x2000x128xf32> to vector<2000x128xf32>
    %swap3A_24 = vector.shape_cast %slice3A : vector<2000x128xf32> to vector<1x2000x128xf32>
    tpu.vector_store %arg3[%swap3A_19, %swap3A_20, %swap3A_21], %swap3A_24 {strides = array<i32>} : memref<2x2000x128xf32, #tpu.memory_space<vmem>>, vector<1x2000x128xf32>,
    %slice3A_25 = vector.extract_strided_slice %mul3A_18 {offsets = [0, 128], sizes = [2000, 128], strides = [1, 1]} : vector<2000x256xf32> to vector<2000x128xf32>
    %swap3A_26 = arith.constant 1 : index
    %swap3A_27 = arith.constant 0 : index
    %swap3A_28 = arith.constant 0 : index
    %swap3A_29 = vector.load %arg3[%swap3A_26, %swap3A_27, %swap3A_28] : memref<2x2000x128xf32, #tpu.memory_space<vmem>>, vector<1x2000x128xf32>
    %swap3A_30 = vector.shape_cast %swap3A_29 : vector<1x2000x128xf32> to vector<2000x128xf32>
    %swap3A_31 = vector.shape_cast %slice3A_25 : vector<2000x128xf32> to vector<1x2000x128xf32>
    tpu.vector_store %arg3[%swap3A_26, %swap3A_27, %swap3A_28], %swap3A_31 {strides = array<i32>} : memref<2x2000x128xf32, #tpu.memory_space<vmem>>, vector<1x2000x128xf32>,
    return
  }
  func.func @transform_0(%arg0: i32) -> (i32, i32) {
    %c0_i32 = arith.constant 0 : i32
    %c0_i32_0 = arith.constant 0 : i32
    return %arg0, %c0_i32 : i32, i32
  }
  func.func @transform_1(%arg0: i32) -> (i32, i32) {
    %c0_i32 = arith.constant 0 : i32
    %c0_i32_0 = arith.constant 0 : i32
    return %arg0, %c0_i32 : i32, i32
  }
  func.func @transform_2(%arg0: i32) -> (i32, i32, i32) {
    %c0_i32 = arith.constant 0 : i32
    %c0_i32_0 = arith.constant 0 : i32
    %c0_i32_1 = arith.constant 0 : i32
    return %c0_i32, %arg0, %c0_i32_0 : i32, i32, i32
  }
  func.func @transform_3(%arg0: i32) -> (i32, i32) {
    %c0_i32 = arith.constant 0 : i32
    %c0_i32_0 = arith.constant 0 : i32
    return %arg0, %c0_i32 : i32, i32
  }
}

module attributes {stable_mosaic.version = 14 : i64} {
  func.func @_tcb1_body(%arg0: i32, %arg1: memref<1000x256xf32, #tpu.memory_space<vmem>>, %arg2: memref<256x256xf32, #tpu.memory_space<vmem>>, %arg3: memref<1x256xf32, #tpu.memory_space<vmem>>, %arg4: memref<1000x256xf32, #tpu.memory_space<vmem>>) attributes {dimension_semantics = [#tpu.dimension_semantics<arbitrary>], iteration_bounds = array<i64: 10>, scalar_prefetch = 0 : i64, scratch_operands = 0 : i64, tpu.core_type = #tpu.core_type<tc>, window_params = [{transform_indices = @transform_0, window_bounds = array<i64: 1000, 256>}, {pipeline_mode = #tpu.pipeline_mode<synchronous>, transform_indices = @transform_1, window_bounds = array<i64: 256, 256>}, {pipeline_mode = #tpu.pipeline_mode<synchronous>, transform_indices = @transform_2, window_bounds = array<i64: 1, 256>}, {transform_indices = @transform_3, window_bounds = array<i64: 1000, 256>}]} {
    %get3A = arith.constant 0 : index
    %get3A_0 = arith.constant 0 : index
    %get3A_1 = vector.load %arg1[%get3A, %get3A_0] : memref<1000x256xf32, #tpu.memory_space<vmem>>, vector<1000x256xf32>
    %get3A_2 = arith.constant 0 : index
    %get3A_3 = arith.constant 0 : index
    %get3A_4 = vector.load %arg2[%get3A_2, %get3A_3] : memref<256x256xf32, #tpu.memory_space<vmem>>, vector<256x256xf32>
    %dot_general3A = arith.constant dense<0.000000e+00> : vector<1000x256xf32>
    %dot_general3A_5 = tpu.matmul %get3A_1, %get3A_4, %dot_general3A {dimension_numbers = #tpu.dot_dimension_numbers<[1], [0], [0], [1], [0, 0, 1, 1], [], []>, transpose_lhs_hint = false} : vector<1000x256xf32>, vector<256x256xf32>, vector<1000x256xf32> -> vector<1000x256xf32>
    %get3A_6 = arith.constant 0 : index
    %get3A_7 = arith.constant 0 : index
    %get3A_8 = vector.load %arg3[%get3A_6, %get3A_7] : memref<1x256xf32, #tpu.memory_space<vmem>>, vector<1x256xf32>
    %add3A = vector.broadcast %get3A_8 : vector<1x256xf32> to vector<1000x256xf32>
    %add3A_9 = arith.addf %dot_general3A_5, %add3A : vector<1000x256xf32>
    %swap3A = arith.constant 0 : index
    %swap3A_10 = arith.constant 0 : index
    %swap3A_11 = vector.load %arg4[%swap3A, %swap3A_10] : memref<1000x256xf32, #tpu.memory_space<vmem>>, vector<1000x256xf32>
    tpu.vector_store %arg4[%swap3A, %swap3A_10], %add3A_9 {strides = array<i32>} : memref<1000x256xf32, #tpu.memory_space<vmem>>, vector<1000x256xf32>,
    return
  }
  func.func @transform_0(%arg0: i32) -> (i32, i32) {
    %c0_i32 = arith.constant 0 : i32
    %c0_i32_0 = arith.constant 0 : i32
    return %arg0, %c0_i32 : i32, i32
  }
  func.func @transform_1(%arg0: i32) -> (i32, i32) {
    %c0_i32 = arith.constant 0 : i32
    %c0_i32_0 = arith.constant 0 : i32
    %c0_i32_1 = arith.constant 0 : i32
    return %c0_i32, %c0_i32_0 : i32, i32
  }
  func.func @transform_2(%arg0: i32) -> (i32, i32) {
    %c0_i32 = arith.constant 0 : i32
    %c0_i32_0 = arith.constant 0 : i32
    %c0_i32_1 = arith.constant 0 : i32
    return %c0_i32, %c0_i32_0 : i32, i32
  }
  func.func @transform_3(%arg0: i32) -> (i32, i32) {
    %c0_i32 = arith.constant 0 : i32
    %c0_i32_0 = arith.constant 0 : i32
    return %arg0, %c0_i32 : i32, i32
  }
}

module attributes {stable_mosaic.version = 14 : i64} {
  func.func @_tcb2_body(%arg0: i32, %arg1: memref<1000x256xf32, #tpu.memory_space<vmem>>, %arg2: memref<2x1000x128xf32, #tpu.memory_space<vmem>>, %arg3: memref<1000x1xf32, #tpu.memory_space<vmem>>, %arg4: memref<256x256xf32, #tpu.memory_space<vmem>>, %arg5: memref<256x256xf32, #tpu.memory_space<vmem>>, %arg6: memref<1x256xf32, #tpu.memory_space<vmem>>, %arg7: memref<256x256xf32, #tpu.memory_space<vmem>>, %arg8: memref<1x256xf32, #tpu.memory_space<vmem>>, %arg9: memref<256x256xf32, #tpu.memory_space<vmem>>, %arg10: memref<1x256xf32, #tpu.memory_space<vmem>>, %arg11: memref<1000x1xf32, #tpu.memory_space<vmem>>, %arg12: memref<1000x1xf32, #tpu.memory_space<vmem>>, %arg13: memref<1x256xf32, #tpu.memory_space<vmem>>, %arg14: memref<1x1xf32, #tpu.memory_space<vmem>>, %arg15: memref<1000x1xf32, #tpu.memory_space<vmem>>) attributes {dimension_semantics = [#tpu.dimension_semantics<arbitrary>], iteration_bounds = array<i64: 10>, scalar_prefetch = 0 : i64, scratch_operands = 0 : i64, tpu.core_type = #tpu.core_type<tc>, window_params = [{transform_indices = @transform_0, window_bounds = array<i64: 1000, 256>}, {transform_indices = @transform_1, window_bounds = array<i64: 2, 1000, 128>}, {transform_indices = @transform_2, window_bounds = array<i64: 1000, 1>}, {pipeline_mode = #tpu.pipeline_mode<synchronous>, transform_indices = @transform_3, window_bounds = array<i64: 256, 256>}, {pipeline_mode = #tpu.pipeline_mode<synchronous>, transform_indices = @transform_4, window_bounds = array<i64: 256, 256>}, {pipeline_mode = #tpu.pipeline_mode<synchronous>, transform_indices = @transform_5, window_bounds = array<i64: 1, 256>}, {pipeline_mode = #tpu.pipeline_mode<synchronous>, transform_indices = @transform_6, window_bounds = array<i64: 256, 256>}, {pipeline_mode = #tpu.pipeline_mode<synchronous>, transform_indices = @transform_7, window_bounds = array<i64: 1, 256>}, {pipeline_mode = #tpu.pipeline_mode<synchronous>, transform_indices = @transform_8, window_bounds = array<i64: 256, 256>}, {pipeline_mode = #tpu.pipeline_mode<synchronous>, transform_indices = @transform_9, window_bounds = array<i64: 1, 256>}, {transform_indices = @transform_10, window_bounds = array<i64: 1000, 1>}, {transform_indices = @transform_11, window_bounds = array<i64: 1000, 1>}, {pipeline_mode = #tpu.pipeline_mode<synchronous>, transform_indices = @transform_12, window_bounds = array<i64: 1, 256>}, {pipeline_mode = #tpu.pipeline_mode<synchronous>, transform_indices = @transform_13, window_bounds = array<i64: 1, 1>}, {transform_indices = @transform_14, window_bounds = array<i64: 1000, 1>}]} {
    %get3A = arith.constant 0 : index
    %get3A_0 = arith.constant 0 : index
    %get3A_1 = vector.load %arg3[%get3A, %get3A_0] : memref<1000x1xf32, #tpu.memory_space<vmem>>, vector<1000x1xf32>
    %get3A_2 = arith.constant 0 : index
    %get3A_3 = arith.constant 0 : index
    %get3A_4 = arith.constant 0 : index
    %get3A_5 = vector.load %arg2[%get3A_2, %get3A_3, %get3A_4] : memref<2x1000x128xf32, #tpu.memory_space<vmem>>, vector<1x1000x128xf32>
    %get3A_6 = vector.shape_cast %get3A_5 : vector<1x1000x128xf32> to vector<1000x128xf32>
    %get3A_7 = arith.constant 1 : index
    %get3A_8 = arith.constant 0 : index
    %get3A_9 = arith.constant 0 : index
    %get3A_10 = vector.load %arg2[%get3A_7, %get3A_8, %get3A_9] : memref<2x1000x128xf32, #tpu.memory_space<vmem>>, vector<1x1000x128xf32>
    %get3A_11 = vector.shape_cast %get3A_10 : vector<1x1000x128xf32> to vector<1000x128xf32>
    %concatenate3A = tpu.concatenate %get3A_6, %get3A_11 in 1 : vector<1000x128xf32>, vector<1000x128xf32> -> vector<1000x256xf32>
    %neg3A = arith.constant 0.000000e+00 : f32
    %neg3A_12 = vector.broadcast %neg3A : f32 to vector<1000x1xf32>
    %neg3A_13 = arith.subf %neg3A_12, %get3A_1 : vector<1000x1xf32>
    %mul3A = vector.broadcast %neg3A_13 : vector<1000x1xf32> to vector<1000x256xf32>
    %mul3A_14 = arith.mulf %mul3A, %concatenate3A : vector<1000x256xf32>
    %get3A_15 = arith.constant 0 : index
    %get3A_16 = arith.constant 0 : index
    %get3A_17 = vector.load %arg1[%get3A_15, %get3A_16] : memref<1000x256xf32, #tpu.memory_space<vmem>>, vector<1000x256xf32>
    %get3A_18 = arith.constant 0 : index
    %get3A_19 = arith.constant 0 : index
    %get3A_20 = vector.load %arg4[%get3A_18, %get3A_19] : memref<256x256xf32, #tpu.memory_space<vmem>>, vector<256x256xf32>
    %dot_general3A = arith.constant dense<0.000000e+00> : vector<1000x256xf32>
    %dot_general3A_21 = tpu.matmul %mul3A_14, %get3A_20, %dot_general3A {dimension_numbers = #tpu.dot_dimension_numbers<[1], [0], [0], [1], [0, 0, 1, 1], [], []>, transpose_lhs_hint = false} : vector<1000x256xf32>, vector<256x256xf32>, vector<1000x256xf32> -> vector<1000x256xf32>
    %add3A = arith.addf %get3A_17, %dot_general3A_21 : vector<1000x256xf32>
    %max3A = arith.constant 0.000000e+00 : f32
    %max3A_22 = vector.broadcast %max3A : f32 to vector<1000x256xf32>
    %max3A_23 = arith.maximumf %add3A, %max3A_22 : vector<1000x256xf32>
    %get3A_24 = arith.constant 0 : index
    %get3A_25 = arith.constant 0 : index
    %get3A_26 = vector.load %arg5[%get3A_24, %get3A_25] : memref<256x256xf32, #tpu.memory_space<vmem>>, vector<256x256xf32>
    %dot_general3A_27 = arith.constant dense<0.000000e+00> : vector<1000x256xf32>
    %dot_general3A_28 = tpu.matmul %max3A_23, %get3A_26, %dot_general3A_27 {dimension_numbers = #tpu.dot_dimension_numbers<[1], [0], [0], [1], [0, 0, 1, 1], [], []>, transpose_lhs_hint = false} : vector<1000x256xf32>, vector<256x256xf32>, vector<1000x256xf32> -> vector<1000x256xf32>
    %get3A_29 = arith.constant 0 : index
    %get3A_30 = arith.constant 0 : index
    %get3A_31 = vector.load %arg6[%get3A_29, %get3A_30] : memref<1x256xf32, #tpu.memory_space<vmem>>, vector<1x256xf32>
    %add3A_32 = vector.broadcast %get3A_31 : vector<1x256xf32> to vector<1000x256xf32>
    %add3A_33 = arith.addf %dot_general3A_28, %add3A_32 : vector<1000x256xf32>
    %get3A_34 = arith.constant 0 : index
    %get3A_35 = arith.constant 0 : index
    %get3A_36 = vector.load %arg7[%get3A_34, %get3A_35] : memref<256x256xf32, #tpu.memory_space<vmem>>, vector<256x256xf32>
    %dot_general3A_37 = arith.constant dense<0.000000e+00> : vector<1000x256xf32>
    %dot_general3A_38 = tpu.matmul %max3A_23, %get3A_36, %dot_general3A_37 {dimension_numbers = #tpu.dot_dimension_numbers<[1], [0], [0], [1], [0, 0, 1, 1], [], []>, transpose_lhs_hint = false} : vector<1000x256xf32>, vector<256x256xf32>, vector<1000x256xf32> -> vector<1000x256xf32>
    %get3A_39 = arith.constant 0 : index
    %get3A_40 = arith.constant 0 : index
    %get3A_41 = vector.load %arg8[%get3A_39, %get3A_40] : memref<1x256xf32, #tpu.memory_space<vmem>>, vector<1x256xf32>
    %add3A_42 = vector.broadcast %get3A_41 : vector<1x256xf32> to vector<1000x256xf32>
    %add3A_43 = arith.addf %dot_general3A_38, %add3A_42 : vector<1000x256xf32>
    %logistic3A = arith.negf %add3A_43 : vector<1000x256xf32>
    %logistic3A_44 = math.exp %logistic3A : vector<1000x256xf32>
    %logistic3A_45 = arith.constant 1.000000e+00 : f32
    %logistic3A_46 = vector.broadcast %logistic3A_45 : f32 to vector<1000x256xf32>
    %logistic3A_47 = arith.addf %logistic3A_46, %logistic3A_44 : vector<1000x256xf32>
    %logistic3A_48 = arith.divf %logistic3A_46, %logistic3A_47 : vector<1000x256xf32>
    %get3A_49 = arith.constant 0 : index
    %get3A_50 = arith.constant 0 : index
    %get3A_51 = vector.load %arg9[%get3A_49, %get3A_50] : memref<256x256xf32, #tpu.memory_space<vmem>>, vector<256x256xf32>
    %dot_general3A_52 = arith.constant dense<0.000000e+00> : vector<1000x256xf32>
    %dot_general3A_53 = tpu.matmul %max3A_23, %get3A_51, %dot_general3A_52 {dimension_numbers = #tpu.dot_dimension_numbers<[1], [0], [0], [1], [0, 0, 1, 1], [], []>, transpose_lhs_hint = false} : vector<1000x256xf32>, vector<256x256xf32>, vector<1000x256xf32> -> vector<1000x256xf32>
    %get3A_54 = arith.constant 0 : index
    %get3A_55 = arith.constant 0 : index
    %get3A_56 = vector.load %arg10[%get3A_54, %get3A_55] : memref<1x256xf32, #tpu.memory_space<vmem>>, vector<1x256xf32>
    %add3A_57 = vector.broadcast %get3A_56 : vector<1x256xf32> to vector<1000x256xf32>
    %add3A_58 = arith.addf %dot_general3A_53, %add3A_57 : vector<1000x256xf32>
    %mul3A_59 = arith.mulf %add3A_33, %logistic3A_48 : vector<1000x256xf32>
    %add3A_60 = arith.addf %mul3A_59, %add3A_58 : vector<1000x256xf32>
    %max3A_61 = arith.constant 0.000000e+00 : f32
    %max3A_62 = vector.broadcast %max3A_61 : f32 to vector<1000x256xf32>
    %max3A_63 = arith.maximumf %add3A_60, %max3A_62 : vector<1000x256xf32>
    %reduce_sum3A = arith.constant dense<0.000000e+00> : vector<1000xf32>
    %reduce_sum3A_64 = vector.multi_reduction <add>, %max3A_63, %reduce_sum3A [1] : vector<1000x256xf32> to vector<1000xf32>
    %broadcast_in_dim3A = vector.shape_cast %reduce_sum3A_64 : vector<1000xf32> to vector<1000x1xf32>
    %div3A = arith.constant 2.560000e+02 : f32
    %div3A_65 = vector.broadcast %div3A : f32 to vector<1000x1xf32>
    %div3A_66 = arith.divf %broadcast_in_dim3A, %div3A_65 : vector<1000x1xf32>
    %sub3A = vector.broadcast %div3A_66 : vector<1000x1xf32> to vector<1000x256xf32>
    %sub3A_67 = arith.subf %max3A_63, %sub3A : vector<1000x256xf32>
    %integer_pow3A = arith.mulf %sub3A_67, %sub3A_67 : vector<1000x256xf32>
    %reduce_sum3A_68 = arith.constant dense<0.000000e+00> : vector<1000xf32>
    %reduce_sum3A_69 = vector.multi_reduction <add>, %integer_pow3A, %reduce_sum3A_68 [1] : vector<1000x256xf32> to vector<1000xf32>
    %broadcast_in_dim3A_70 = vector.shape_cast %reduce_sum3A_69 : vector<1000xf32> to vector<1000x1xf32>
    %div3A_71 = arith.constant 2.560000e+02 : f32
    %div3A_72 = vector.broadcast %div3A_71 : f32 to vector<1000x1xf32>
    %div3A_73 = arith.divf %broadcast_in_dim3A_70, %div3A_72 : vector<1000x1xf32>
    %sub3A_74 = vector.broadcast %div3A_66 : vector<1000x1xf32> to vector<1000x256xf32>
    %sub3A_75 = arith.subf %max3A_63, %sub3A_74 : vector<1000x256xf32>
    %add3A_76 = arith.constant 9.99999974E-6 : f32
    %add3A_77 = vector.broadcast %add3A_76 : f32 to vector<1000x1xf32>
    %add3A_78 = arith.addf %div3A_73, %add3A_77 : vector<1000x1xf32>
    %sqrt3A = math.sqrt %add3A_78 : vector<1000x1xf32>
    %div3A_79 = vector.broadcast %sqrt3A : vector<1000x1xf32> to vector<1000x256xf32>
    %div3A_80 = arith.divf %sub3A_75, %div3A_79 : vector<1000x256xf32>
    %get3A_81 = arith.constant 0 : index
    %get3A_82 = arith.constant 0 : index
    %get3A_83 = vector.load %arg11[%get3A_81, %get3A_82] : memref<1000x1xf32, #tpu.memory_space<vmem>>, vector<1000x1xf32>
    %mul3A_84 = vector.broadcast %get3A_83 : vector<1000x1xf32> to vector<1000x256xf32>
    %mul3A_85 = arith.mulf %div3A_80, %mul3A_84 : vector<1000x256xf32>
    %get3A_86 = arith.constant 0 : index
    %get3A_87 = arith.constant 0 : index
    %get3A_88 = vector.load %arg12[%get3A_86, %get3A_87] : memref<1000x1xf32, #tpu.memory_space<vmem>>, vector<1000x1xf32>
    %add3A_89 = vector.broadcast %get3A_88 : vector<1000x1xf32> to vector<1000x256xf32>
    %add3A_90 = arith.addf %mul3A_85, %add3A_89 : vector<1000x256xf32>
    %max3A_91 = arith.constant 0.000000e+00 : f32
    %max3A_92 = vector.broadcast %max3A_91 : f32 to vector<1000x256xf32>
    %max3A_93 = arith.maximumf %add3A_90, %max3A_92 : vector<1000x256xf32>
    %get3A_94 = arith.constant 0 : index
    %get3A_95 = arith.constant 0 : index
    %get3A_96 = vector.load %arg13[%get3A_94, %get3A_95] : memref<1x256xf32, #tpu.memory_space<vmem>>, vector<1x256xf32>
    %mul3A_97 = vector.broadcast %get3A_96 : vector<1x256xf32> to vector<1000x256xf32>
    %mul3A_98 = arith.mulf %max3A_93, %mul3A_97 : vector<1000x256xf32>
    %reduce_sum3A_99 = arith.constant dense<0.000000e+00> : vector<1000xf32>
    %reduce_sum3A_100 = vector.multi_reduction <add>, %mul3A_98, %reduce_sum3A_99 [1] : vector<1000x256xf32> to vector<1000xf32>
    %broadcast_in_dim3A_101 = vector.shape_cast %reduce_sum3A_100 : vector<1000xf32> to vector<1000x1xf32>
    %get3A_102 = arith.constant 0 : index
    %get3A_103 = arith.constant 0 : index
    %get3A_104 = vector.load %arg14[%get3A_102, %get3A_103] : memref<1x1xf32, #tpu.memory_space<vmem>>, vector<1x1xf32>
    %add3A_105 = vector.broadcast %get3A_104 : vector<1x1xf32> to vector<1000x1xf32>
    %add3A_106 = arith.addf %broadcast_in_dim3A_101, %add3A_105 : vector<1000x1xf32>
    %swap3A = arith.constant 0 : index
    %swap3A_107 = arith.constant 0 : index
    %swap3A_108 = vector.load %arg15[%swap3A, %swap3A_107] : memref<1000x1xf32, #tpu.memory_space<vmem>>, vector<1000x1xf32>
    tpu.vector_store %arg15[%swap3A, %swap3A_107], %add3A_106 {strides = array<i32>} : memref<1000x1xf32, #tpu.memory_space<vmem>>, vector<1000x1xf32>,
    return
  }
  func.func @transform_0(%arg0: i32) -> (i32, i32) {
    %c0_i32 = arith.constant 0 : i32
    %c0_i32_0 = arith.constant 0 : i32
    return %arg0, %c0_i32 : i32, i32
  }
  func.func @transform_1(%arg0: i32) -> (i32, i32, i32) {
    %c0_i32 = arith.constant 0 : i32
    %c0_i32_0 = arith.constant 0 : i32
    %c0_i32_1 = arith.constant 0 : i32
    return %c0_i32, %arg0, %c0_i32_0 : i32, i32, i32
  }
  func.func @transform_2(%arg0: i32) -> (i32, i32) {
    %c0_i32 = arith.constant 0 : i32
    %c0_i32_0 = arith.constant 0 : i32
    return %arg0, %c0_i32 : i32, i32
  }
  func.func @transform_3(%arg0: i32) -> (i32, i32) {
    %c0_i32 = arith.constant 0 : i32
    %c0_i32_0 = arith.constant 0 : i32
    %c0_i32_1 = arith.constant 0 : i32
    return %c0_i32, %c0_i32_0 : i32, i32
  }
  func.func @transform_4(%arg0: i32) -> (i32, i32) {
    %c0_i32 = arith.constant 0 : i32
    %c0_i32_0 = arith.constant 0 : i32
    %c0_i32_1 = arith.constant 0 : i32
    return %c0_i32, %c0_i32_0 : i32, i32
  }
  func.func @transform_5(%arg0: i32) -> (i32, i32) {
    %c0_i32 = arith.constant 0 : i32
    %c0_i32_0 = arith.constant 0 : i32
    %c0_i32_1 = arith.constant 0 : i32
    return %c0_i32, %c0_i32_0 : i32, i32
  }
  func.func @transform_6(%arg0: i32) -> (i32, i32) {
    %c0_i32 = arith.constant 0 : i32
    %c0_i32_0 = arith.constant 0 : i32
    %c0_i32_1 = arith.constant 0 : i32
    return %c0_i32, %c0_i32_0 : i32, i32
  }
  func.func @transform_7(%arg0: i32) -> (i32, i32) {
    %c0_i32 = arith.constant 0 : i32
    %c0_i32_0 = arith.constant 0 : i32
    %c0_i32_1 = arith.constant 0 : i32
    return %c0_i32, %c0_i32_0 : i32, i32
  }
  func.func @transform_8(%arg0: i32) -> (i32, i32) {
    %c0_i32 = arith.constant 0 : i32
    %c0_i32_0 = arith.constant 0 : i32
    %c0_i32_1 = arith.constant 0 : i32
    return %c0_i32, %c0_i32_0 : i32, i32
  }
  func.func @transform_9(%arg0: i32) -> (i32, i32) {
    %c0_i32 = arith.constant 0 : i32
    %c0_i32_0 = arith.constant 0 : i32
    %c0_i32_1 = arith.constant 0 : i32
    return %c0_i32, %c0_i32_0 : i32, i32
  }
  func.func @transform_10(%arg0: i32) -> (i32, i32) {
    %c0_i32 = arith.constant 0 : i32
    %c0_i32_0 = arith.constant 0 : i32
    return %arg0, %c0_i32 : i32, i32
  }
  func.func @transform_11(%arg0: i32) -> (i32, i32) {
    %c0_i32 = arith.constant 0 : i32
    %c0_i32_0 = arith.constant 0 : i32
    return %arg0, %c0_i32 : i32, i32
  }
  func.func @transform_12(%arg0: i32) -> (i32, i32) {
    %c0_i32 = arith.constant 0 : i32
    %c0_i32_0 = arith.constant 0 : i32
    %c0_i32_1 = arith.constant 0 : i32
    return %c0_i32, %c0_i32_0 : i32, i32
  }
  func.func @transform_13(%arg0: i32) -> (i32, i32) {
    %c0_i32 = arith.constant 0 : i32
    %c0_i32_0 = arith.constant 0 : i32
    %c0_i32_1 = arith.constant 0 : i32
    return %c0_i32, %c0_i32_0 : i32, i32
  }
  func.func @transform_14(%arg0: i32) -> (i32, i32) {
    %c0_i32 = arith.constant 0 : i32
    %c0_i32_0 = arith.constant 0 : i32
    return %arg0, %c0_i32 : i32, i32
  }
}

</mosaic_0001>

<sc_bundles>
// kernel: kernel.11.cloned.1.call-start
scs
__scs_entry_jumppad:
0x0: {  	(pc) =	sbr.rel $0x88, $3  }
0x1: {  	(tag) =	ssettag $0x0;
	lr =	simm.s32 $0x1  }
0x2: {  	[smem:$0x3F8C] =	sst lr;
	_ =	strace $0xD0000000  }
0x3: {  	_ = 	snop  }
0x4: {  	_ = 	snop  }
0x5: {  	_ = 	snop  }
0x6: {  	_ = 	snop  }
0x7: {  	_ = 	snop  }
__scs_overlays_trampoline_lowered:
0x8: {  	[smem:$0x3F9B] =	sst s0  }
0x9: {  	[smem:$0x3F9C] =	sst s1  }
0xa: {  	[smem:$0x3F9D] =	sst s2  }
0xb: {  	[smem:$0x3F9E] =	sst s3  }
0xc: {  	[smem:$0x3F9F] =	sst s4  }
0xd: {  	[smem:$0x3FA0] =	sst s5  }
0xe: {  	[smem:$0x3FA1] =	sst s6  }
0xf: {  	[smem:$0x3FA2] =	sst s7  }
0x10: {  	[smem:$0x3FA3] =	sst s8  }
0x11: {  	[smem:$0x3FA4] =	sst s9;
	s0 =	simm.s32 @!p0 $0x0  }
0x12: {  	s1 =	sld [smem:$0x3F8A];
	s0 =	simm.s32 @p0 $0x1  }
0x13: {  	[smem:$0x3FA5] =	sst s0;
	s0 =	simm.s32 @!p1 $0x0  }
0x14: {  	s2 =	sld [smem:$0x3F89];
	s0 =	simm.s32 @p1 $0x1  }
0x15: {  	[smem:$0x3FA6] =	sst s0;
	s0 =	simm.s32 @!p2 $0x0  }
0x16: {  	s3 =	sld [smem:$0x3FDB];
	s0 =	simm.s32 @p2 $0x1  }
0x17: {  	s4 =	simm.s32 $0x1BF5;
	[smem:$0x3FA8] =	sst s0  }
0x18: {  	s0 =	sld [smem:$0x3F8B];
	_ =	swait.ge [sflag:s4], $0x0  }
0x19: {  	s7 =	sld [smem:$0x3F8C]  }
0x1a: {  	s8 =	sadd.s32 $0xFFFFE003, lr  }
0x1b: {  	s9 =	sadd.s32 $0xFFFFFEF7, lr;
	s5 =	simm.s32 $0xFFFFFFFF;
	p2 =	slt.u32 s8, $0xFFFFF086  }
0x1c: {  	p1 =	slt.u32 s9, $0xF7A;
	s5 =	simm.s32 @!p2 $0x0  }
0x1d: {  	s5 =	simm.s32 @p1 $0x1;
	p0 =	seq.s32 s7, s2  }
0x1e: {  	s7 =	smul.u32 @!p0 $0xF7A, s2;
	p2 =	seq.s32 @!p0 s5, $0x0  }
0x1f: {  	s9 =	smul.u32 $0xF7A, s1;
	s8 =	simm.s32 @!p0 $0x1BF5;
	p2 =	por !p2, p0  }
0x20: {  	[sflag:s8] =	ssyncset.s32 @!p0 $0xFFFFF086;
	s6 =	sadd.s32 @!p0 s3, s7;
	s7 =	simm.s32 @!p0 $0x108  }
0x21: {  	s3 =	sadd.s32 s3, s9;
	s6 =	sadd.s32 @!p0 $0x88, s6;
	s7 =	simm.s32 @p2 $0x1082  }
0x22: {  	[simem:s7], [sflag:s8] =	dma.local @!p0 [hbm:s6], $0xF7A  }
0x23: {  	s9 =	sor.u32 $0xD0000000, s2;
	s6 =	simm.s32 $0x108;
	_ =	swait.ge @!p0 [sflag:s8], $0x0  }
0x24: {  	s3 =	sadd.s32 $0x88, s3;
	s6 =	simm.s32 @!p1 $0x1082;
	[sflag:s4] =	ssyncset.s32 $0xFFFFF086  }
0x25: {  	[simem:s6], [sflag:s4] =	dma.local [hbm:s3], $0xF7A  }
0x26: {  	[smem:$0x3F8C] =	sst s1;
	(tag) =	ssettag s2;
	_ =	strace s9  }
0x27: {  	s1 =	sld [smem:$0x3F9C]  }
0x28: {  	s2 =	sld [smem:$0x3F9D]  }
0x29: {  	s4 =	sld [smem:$0x3F9F]  }
0x2a: {  	p0 =	seq.s32 s5, $0x0;
	s5 =	sld [smem:$0x3FA0]  }
0x2b: {  	s6 =	sld [smem:$0x3FA1]  }
0x2c: {  	s7 =	sld [smem:$0x3FA2]  }
0x2d: {  	s3 =	simm.s32 $0x108;
	s8 =	sld [smem:$0x3FA3]  }
0x2e: {  	s3 =	simm.s32 @!p0 $0x1082;
	s9 =	sld [smem:$0x3FA4]  }
0x2f: {  	lr =	sadd.s32 s0, s3;
	s0 =	sld [smem:$0x3F9B]  }
0x30: {  	s3 =	sld [smem:$0x3F9E]  }
0x31: {  	[smem:$0x3FA7] =	sst s10  }
0x32: {  	s10 =	sld [smem:$0x3FA5];
	_ =	sdelay $0x3  }
0x33: {  	p0 =	seq.s32 s10, $0x1;
	s10 =	sld [smem:$0x3FA7];
	_ =	sdelay $0x3  }
0x34: {  	[smem:$0x3FA7] =	sst s10  }
0x35: {  	s10 =	sld [smem:$0x3FA6];
	_ =	sdelay $0x3  }
0x36: {  	p1 =	seq.s32 s10, $0x1;
	s10 =	sld [smem:$0x3FA7];
	_ =	sdelay $0x3  }
0x37: {  	[smem:$0x3FA7] =	sst s10  }
0x38: {  	s10 =	sld [smem:$0x3FA8]  }
0x39: {  	_ = 	snop;
	(pc) =	sbr.ind lr, $3  }
0x3a: {  	_ = 	snop  }
0x3b: {  	_ = 	snop  }
0x3c: {  	p2 =	seq.s32 s10, $0x1;
	s10 =	sld [smem:$0x3FA7]  }
0x3d: {  	_ =	shalt  }
0x3e: {  	_ =	shalt  }
0x3f: {  	_ =	shalt  }
0x40: {  	_ =	shalt  }
0x41: {  	_ =	shalt  }
0x42: {  	_ =	shalt  }
0x43: {  	_ =	shalt  }
0x44: {  	_ =	shalt  }
0x45: {  	_ =	shalt  }
0x46: {  	_ =	shalt  }
0x47: {  	_ =	shalt  }
0x48: {  	_ =	shalt  }
0x49: {  	_ =	shalt  }
0x4a: {  	_ =	shalt  }
0x4b: {  	_ =	shalt  }
0x4c: {  	_ =	shalt  }
0x4d: {  	_ =	shalt  }
0x4e: {  	_ =	shalt  }
0x4f: {  	_ =	shalt  }
0x50: {  	_ =	shalt  }
0x51: {  	_ =	shalt  }
0x52: {  	_ =	shalt  }
0x53: {  	_ =	shalt  }
0x54: {  	_ =	shalt  }
0x55: {  	_ =	shalt  }
0x56: {  	_ =	shalt  }
0x57: {  	_ =	shalt  }
0x58: {  	_ =	shalt  }
0x59: {  	_ =	shalt  }
0x5a: {  	_ =	shalt  }
0x5b: {  	_ =	shalt  }
0x5c: {  	_ =	shalt  }
0x5d: {  	_ =	shalt  }
0x5e: {  	_ =	shalt  }
0x5f: {  	_ =	shalt  }
0x60: {  	_ =	shalt  }
0x61: {  	_ =	shalt  }
0x62: {  	_ =	shalt  }
0x63: {  	_ =	shalt  }
0x64: {  	_ =	shalt  }
0x65: {  	_ =	shalt  }
0x66: {  	_ =	shalt  }
0x67: {  	_ =	shalt  }
0x68: {  	_ =	shalt  }
0x69: {  	_ =	shalt  }
0x6a: {  	_ =	shalt  }
0x6b: {  	_ =	shalt  }
0x6c: {  	_ =	shalt  }
0x6d: {  	_ =	shalt  }
0x6e: {  	_ =	shalt  }
0x6f: {  	_ =	shalt  }
0x70: {  	_ =	shalt  }
0x71: {  	_ =	shalt  }
0x72: {  	_ =	shalt  }
0x73: {  	_ =	shalt  }
0x74: {  	_ =	shalt  }
0x75: {  	_ =	shalt  }
0x76: {  	_ =	shalt  }
0x77: {  	_ =	shalt  }
0x78: {  	_ =	shalt  }
0x79: {  	_ =	shalt  }
0x7a: {  	_ =	shalt  }
0x7b: {  	_ =	shalt  }
0x7c: {  	_ =	shalt  }
0x7d: {  	_ =	shalt  }
0x7e: {  	_ =	shalt  }
0x7f: {  	_ =	shalt  }
0x80: {  	_ =	shalt  }
0x81: {  	_ =	shalt  }
0x82: {  	_ =	shalt  }
0x83: {  	_ =	shalt  }
0x84: {  	_ =	shalt  }
0x85: {  	_ =	shalt  }
0x86: {  	_ =	shalt  }
0x87: {  	_ =	shalt  }
.Lfunc_end0:
.L_simem_size_0:
called_computation.1_lowered:
.L_overlay_start_0:
0x88: {  	s2 =	sld [smem:$0x3FD9]  }
0x89: {  	s3 =	sld [smem:$0x3FFE];
	_ =	sdelay $0x1  }
0x8a: {  	s1 =	srdreg.scid  }
0x8b: {  	s0 =	sand.u32 $0x1, s1  }
0x8c: {  	s16 =	sshll.u32 s0, $0xA;
	s2 =	sadd.s32 s3, s2  }
0x8d: {  	s2 =	sadd.s32 s2, s16  }
0x8e: {  	[smem:$0x3FB3] =	sst s2  }
0x8f: {  	_ = 	snop  }
0x90: {  	(tm) =	ssettm $0x1  }
0x91: {  	s17 =	sld [smem:$0x3FFB];
	_ =	sdelay $0x3  }
0x92: {  	_ =	strace s17  }
0x93: {  	s2 =	sld [smem:$0x3FFC];
	_ =	sdelay $0x3  }
0x94: {  	_ =	strace s2  }
0x95: {  	s2 =	sld [smem:$0x3FFD];
	_ =	sdelay $0x3  }
0x96: {  	_ =	strace s2  }
0x97: {  	_ =	strace $0x8FFFFFFF  }
0x98: {  	s18 =	sld [smem:$0x3FDB];
	_ =	sdelay $0x1  }
0x99: {  	s19 =	simm.s32 $_scs_section_size  }
0x9a: {  	s4 =	simm.s32 $_size__tile_overlayer_lowered;
	s5 =	simm.s32 $_tile_overlayer_lowered  }
0x9b: {  	s22 =	simm.s32 $0x1BFF;
	s21 =	sshll.u32 s5, $0x1;
	s2 =	sadd.s32 s19, s18  }
0x9c: {  	s6 =	simm.s32 $0x0;
	s20 =	sshll.u32 s4, $0x1;
	s4 =	sadd.s32 s21, s2  }
0x9d: {  	[timem:s6], [sflag:s22] =	dma.local [hbm:s4], s20  }
0x9e: {  	_ =	swait.ge [sflag:s22], s20  }
0x9f: {  	s3 =	ssub.s32 $0x0, s20;
	[sflag:s22] =	ssyncset.done $0x0  }
0xa0: {  	[sflag:s22] =	ssyncadd.s32 s3;
	_ =	sdelay $0x1  }
0xa1: {  	s23 =	simm.s32 $0x1B8B  }
0xa2: {  	_ =	swait.ge [sflag:s23], $0x1  }
0xa3: {  	[sflag:s23] =	ssyncset.done $0x0  }
0xa4: {  	s25 =	simm.s32 $0x1B8E;
	s24 =	sld [smem:$0x3FFE];
	[sflag:s23] =	ssyncadd.s32 $0xFFFFFFFF  }
0xa5: {  	s26 =	simm.s32 $execute0_lowered;
	[smem:$0x3FD2] =	sst s25  }
0xa6: {  	s4 =	sshll.u32 s26, $0x1;
	_ =	strace $0x80000049;
	[dreg:$0x1] =	wrdreg $0xFFFFFFFF  }
0xa7: {  	s28 =	simm.s32 $_size_execute0_lowered;
	s2 =	sadd.s32 s2, s4;
	[dreg:$0x0] =	wrdreg $0x0  }
0xa8: {  	s4 =	sshll.u32 s28, $0x1;
	[dreg:$0x2] =	wrdreg s2  }
0xa9: {  	[dreg:$0x3] =	wrdreg s4  }
0xaa: {  	[dreg:$0x4] =	wrdreg $0xC0  }
0xab: {  	_ =	task [dreg:s6], $0x5FFFF  }
0xac: {  	[dreg:$0x1] =	wrdreg $0xFFFFFFFF  }
0xad: {  	[dreg:$0x0] =	wrdreg $0x60  }
0xae: {  	[dreg:$0x2] =	wrdreg s24  }
0xaf: {  	[dreg:$0x3] =	wrdreg $0xA8000  }
0xb0: {  	[dreg:$0x4] =	wrdreg $0x9  }
0xb1: {  	_ =	task.clear_ibuf [dreg:s6], $0x5FFFF;
	_ =	strace $0x90000049  }
0xb2: {  	s29 =	simm.s32 $0x9;
	_ =	strace $0x8000004B  }
0xb3: {  	_ =	swait.ge [sflag:s29], $0x1  }
0xb4: {  	[sflag:s29] =	ssyncadd.s32 $0xFFFFFFFF  }
0xb5: {  	_ =	strace $0x9000004B  }
0xb6: {  	_ =	sfence  }
0xb7: {  	s30 =	sld [smem:$0x0];
	_ =	sdelay $0x2  }
0xb8: {  	s31 =	sshll.u32 s1, $0xD;
	s1 =	sshrl.u32 s1, $0x2  }
0xb9: {  	s3 =	sand.u32 $0x4000, s31;
	s1 =	sadd.s32 s1, s30  }
0xba: {  	s0 =	sor.u32 s3, s0;
	s1 =	sshll.u32 s1, $0x11  }
0xbb: {  	s0 =	sor.u32 s1, s0  }
0xbc: {  	s0 =	sadd.s32 $0x8F2B, s0  }
0xbd: {  	[sflag:s0] =	ssyncadd.remote.s32 $0x1  }
0xbe: {  	_ =	sfence.sel $0xFFFF  }
0xbf: {  	[dreg:$0x0] =	wrdreg $0xFFFFFFFF;
	(pc) =	sbr.abs _section_cstart, $3  }
0xc0: {  	[dreg:$0x1] =	wrdreg $0xFFFFFFFF  }
0xc1: {  	_ =	task.clear_ibuf [dreg:s6], $0x2FFFF;
	_ =	strace $0x9FFFFFFF  }
0xc2: {  	(tm) =	ssettm $0x7FFFFFFF  }
0xc3: {  	_ =	shalt  }
tec
execute0_lowered:
.L_overlay_start_1:
0x0: {  	(tag) =	ssettag $0x1  }
0x1: {  	s6 =	rddreg [dreg:$0x0]  }
0x2: {  	s2 =	rddreg [dreg:$0x1];
	s3 =	simm.s32 $0x0;
	s4 =	srdreg.scid  }
0x3: {  	s1 =	stileid.u32;
	s18 =	simm.s32 $0x5;
	s19 =	simm.s32 $0x1400  }
0x4: {  	s20 =	simm.s32 $0x80;
	s21 =	simm.s32 $0x6800;
	s22 =	simm.s32 $0x1  }
0x5: {  	s23 =	simm.s32 $0x2;
	s24 =	simm.s32 $0x3;
	s28 =	simm.s32 $0x2780  }
0x6: {  	s29 =	simm.s32 $0x0;
	[smem:$0x7FF] =	sst s3;
	s7 =	sand.u32 $0x1, s4  }
0x7: {  	s5 =	smul.u32 $0x2800, s1;
	s4 =	sadd.s32 $0x75000, s6;
	s15 =	sadd.s32 $0x61000, s6  }
0x8: {  	s16 =	sadd.s32 $0x6B000, s6;
	s10 =	smul.u32 $0x50000, s1;
	s30 =	sshll.u32 s1, $0x1  }
0x9: {  	_ =	strace $0x8000004A;
	s8 =	smul.u32 $0x28000, s7;
	s9 =	ssub.s32 $0x2, s7  }
0xa: {  	s7 =	sshll.u32 s7, $0x5;
	s25 =	sshrl.u32 s9, $0x1;
	s26 =	sshrl.u32 s10, $0x2  }
0xb: {  	s31 =	sor.u32 s30, s7;
	s8 =	sadd.s32 s5, s8;
	s5 =	sadd.s32 $0x3E00, s6  }
0xc: {  	s12 =	ssub.s32 s9, s25;
	s14 =	smul.u32 $0x280, s31;
	s25 =	simm.s32 $0x4  }
0xd: {  	s11 =	sadd.s32 s8, s6;
	s6 =	sadd.s32 s26, s2;
	s12 =	smax.u32 s12, $0x1  }
0xe: {  	s26 =	simm.s32 $0x2700;
	s7 =	sadd.s32 $0x4000, s6;
	s8 =	sadd.s32 $0x8000, s6  }
0xf: {  	s9 =	sadd.s32 $0xC000, s6;
	s10 =	sadd.s32 $0x10000, s6;
	s11 =	sadd.s32 $0xEA400, s11  }
0x10: {  	s13 =	sadd.s32 s15, s14;
	s17 =	sadd.s32 $0x280, s14;
	s14 =	sadd.s32 s16, s14  }
0x11: {  	s15 =	sadd.s32 s15, s17;
	s16 =	sadd.s32 s16, s17;
	s17 =	simm.s32 $0x2800  }
.LBB2_1:
0x12: {  	[tilespmem:s17], [sflag:$0x5] =	stream.linear.gather [hbm4b:s5+s3], $0x4000, $0x38;
	[tilespmem:$0x1E800] =	vst v63  }
0x13: {  	_ =	swait.ge [sflag:s18], $0x4000  }
0x14: {  	[sflag:s18] =	ssyncset.done $0x0  }
0x15: {  	[sflag:s18] =	ssyncadd.s32 $0xFFFFC000  }
0x16: {  	[spmem:s6] =	stream.linear.scatter [tilespmem:s17], [sflag:$0x5], $0x4000, $0x38;
	[tilespmem:$0x1E800] =	vst v63  }
0x17: {  	_ =	swait.ge [sflag:s18], $0x4000  }
0x18: {  	[sflag:s18] =	ssyncset.done $0x0  }
0x19: {  	[sflag:s18] =	ssyncadd.s32 $0xFFFFC000  }
0x1a: {  	[spmem:s7] =	stream.linear.scatter [tilespmem:s17], [sflag:$0x5], $0x4000, $0x38;
	[tilespmem:$0x1E800] =	vst v63  }
0x1b: {  	_ =	swait.ge [sflag:s18], $0x4000  }
0x1c: {  	[sflag:s18] =	ssyncset.done $0x0  }
0x1d: {  	[sflag:s18] =	ssyncadd.s32 $0xFFFFC000  }
0x1e: {  	[spmem:s8] =	stream.linear.scatter [tilespmem:s17], [sflag:$0x5], $0x4000, $0x38;
	[tilespmem:$0x1E800] =	vst v63  }
0x1f: {  	_ =	swait.ge [sflag:s18], $0x4000  }
0x20: {  	[sflag:s18] =	ssyncset.done $0x0  }
0x21: {  	[sflag:s18] =	ssyncadd.s32 $0xFFFFC000  }
0x22: {  	[spmem:s9] =	stream.linear.scatter [tilespmem:s17], [sflag:$0x5], $0x4000, $0x38;
	[tilespmem:$0x1E800] =	vst v63  }
0x23: {  	_ =	swait.ge [sflag:s18], $0x4000  }
0x24: {  	[sflag:s18] =	ssyncset.done $0x0  }
0x25: {  	[sflag:s18] =	ssyncadd.s32 $0xFFFFC000  }
0x26: {  	[spmem:s10] =	stream.linear.scatter [tilespmem:s17], [sflag:$0x5], $0x4000, $0x38;
	[tilespmem:$0x1E800] =	vst v63  }
0x27: {  	_ =	swait.ge [sflag:s18], $0x4000  }
0x28: {  	[sflag:s18] =	ssyncset.done $0x0  }
0x29: {  	[sflag:s18] =	ssyncadd.s32 $0xFFFFC000  }
0x2a: {  	[bflag:$0x0] =	sbarrier.arrive $0xFFFF  }
0x2b: {  	[tilespmem:s3], [sflag:$0x5] =	stream.linear.gather [hbm4b:s13+s3], $0x1400, $0x38;
	[tilespmem:$0x1E800] =	vst v63  }
0x2c: {  	_ =	swait.ge [sflag:s18], $0x1400  }
0x2d: {  	[sflag:s18] =	ssyncset.done $0x0  }
0x2e: {  	[sflag:s18] =	ssyncadd.s32 $0xFFFFEC00  }
0x2f: {  	[tilespmem:s19], [sflag:$0x5] =	stream.linear.gather [hbm4b:s14+s3], $0x1400, $0x38;
	[tilespmem:$0x1E800] =	vst v63  }
0x30: {  	_ =	swait.ge [sflag:s18], $0x1400  }
0x31: {  	[sflag:s18] =	ssyncset.done $0x0  }
0x32: {  	[sflag:s18] =	ssyncadd.s32 $0xFFFFEC00  }
0x33: {  	[tilespmem:s17], [sflag:$0x1] =	stream.indirect.gather [hbm4b:s4+s20], $0x80, s3, s20, $0xb8;
	[tilespmem:$0x1E800] =	vst v63  }
0x34: {  	_ = 	snop  }
0x35: {  	[tilespmem:s21], [sflag:$0x2] =	stream.indirect.gather [hbm4b:s4+s20], $0x80, s20, s20, $0xb8;
	[tilespmem:$0x1E800] =	vst v63  }
0x36: {  	_ =	swait.ge [sflag:s22], $0x4000  }
0x37: {  	[sflag:s22] =	ssyncset.done $0x0  }
0x38: {  	s30 =	simm.s32 $0x1400;
	[sflag:s22] =	ssyncadd.s32 $0xFFFFC000  }
0x39: {  	[spmem:s2] =	stream.indirect.scatter.add.f32 [tilespmem:s17], [sflag:$0x3], $0x80, s30, s20, $0xb8;
	[tilespmem:$0x1E800] =	vst v63  }
0x3a: {  	_ =	swait.ge [sflag:s23], $0x4000  }
0x3b: {  	[sflag:s23] =	ssyncset.done $0x0  }
0x3c: {  	s30 =	simm.s32 $0x1480;
	[sflag:s23] =	ssyncadd.s32 $0xFFFFC000  }
0x3d: {  	[spmem:s2] =	stream.indirect.scatter.add.f32 [tilespmem:s21], [sflag:$0x4], $0x80, s30, s20, $0xb8;
	[tilespmem:$0x1E800] =	vst v63  }
0x3e: {  	_ =	swait.ge [sflag:s24], $0x4000  }
0x3f: {  	[sflag:s24] =	ssyncset.done $0x0  }
0x40: {  	s30 =	simm.s32 $0x100;
	[sflag:s24] =	ssyncadd.s32 $0xFFFFC000  }
0x41: {  	[tilespmem:s17], [sflag:$0x1] =	stream.indirect.gather [hbm4b:s4+s20], $0x80, s30, s20, $0xb8;
	[tilespmem:$0x1E800] =	vst v63  }
0x42: {  	_ =	swait.ge [sflag:s25], $0x4000  }
0x43: {  	[sflag:s25] =	ssyncset.done $0x0  }
0x44: {  	s31 =	simm.s32 $0x180;
	s30 =	simm.s32 $0x400;
	[sflag:s25] =	ssyncadd.s32 $0xFFFFC000  }
.LBB2_2:
0x45: {  	[tilespmem:s21], [sflag:$0x2] =	stream.indirect.gather [hbm4b:s4+s20], $0x80, s31, s20, $0xb8;
	[tilespmem:$0x1E800] =	vst v63  }
0x46: {  	s31 =	smov.u32 s30  }
0x47: {  	p0 =	sne.s32 s30, $0x4800;
	s30 =	sadd.s32 $0x400, s30;
	_ =	swait.ge [sflag:s22], $0x4000  }
0x48: {  	s31 =	sshra.s32 s31, $0x2;
	[sflag:s22] =	ssyncset.done $0x0  }
0x49: {  	s0 =	sadd.s32 $0x1400, s31;
	[sflag:s22] =	ssyncadd.s32 $0xFFFFC000  }
0x4a: {  	[spmem:s2] =	stream.indirect.scatter.add.f32 [tilespmem:s17], [sflag:$0x3], $0x80, s0, s20, $0xb8;
	[tilespmem:$0x1E800] =	vst v63  }
0x4b: {  	_ =	swait.ge [sflag:s23], $0x4000  }
0x4c: {  	[sflag:s23] =	ssyncset.done $0x0  }
0x4d: {  	s0 =	sadd.s32 $0x1480, s31;
	[sflag:s23] =	ssyncadd.s32 $0xFFFFC000  }
0x4e: {  	[spmem:s2] =	stream.indirect.scatter.add.f32 [tilespmem:s21], [sflag:$0x4], $0x80, s0, s20, $0xb8;
	[tilespmem:$0x1E800] =	vst v63  }
0x4f: {  	_ =	swait.ge [sflag:s24], $0x4000  }
0x50: {  	[sflag:s24] =	ssyncset.done $0x0  }
.Ltmp0:
0x51: {  	s0 =	sadd.s32 $0x100, s31;
	[sflag:s24] =	ssyncadd.s32 $0xFFFFC000;
	(pc) =	sbr.rel @p0 .LBB2_2-.Ltmp0, $4  }
0x52: {  	[tilespmem:s17], [sflag:$0x1] =	stream.indirect.gather [hbm4b:s4+s20], $0x80, s0, s20, $0xb8;
	[tilespmem:$0x1E800] =	vst v63  }
0x53: {  	_ =	swait.ge [sflag:s25], $0x4000  }
0x54: {  	[sflag:s25] =	ssyncset.done $0x0  }
0x55: {  	s31 =	sadd.s32 $0x180, s31;
	[sflag:s25] =	ssyncadd.s32 $0xFFFFC000  }
0x56: {  	[tilespmem:s21], [sflag:$0x2] =	stream.indirect.gather [hbm4b:s4+s20], $0x80, s31, s20, $0xb8;
	[tilespmem:$0x1E800] =	vst v63  }
0x57: {  	_ =	swait.ge [sflag:s22], $0x4000  }
0x58: {  	[sflag:s22] =	ssyncset.done $0x0  }
0x59: {  	[sflag:s22] =	ssyncadd.s32 $0xFFFFC000  }
0x5a: {  	[spmem:s2] =	stream.indirect.scatter.add.f32 [tilespmem:s17], [sflag:$0x3], $0x80, s26, s20, $0xb8;
	[tilespmem:$0x1E800] =	vst v63  }
0x5b: {  	_ =	swait.ge [sflag:s23], $0x4000  }
0x5c: {  	[sflag:s23] =	ssyncset.done $0x0  }
0x5d: {  	[sflag:s23] =	ssyncadd.s32 $0xFFFFC000  }
0x5e: {  	[spmem:s2] =	stream.indirect.scatter.add.f32 [tilespmem:s21], [sflag:$0x4], $0x80, s28, s20, $0xb8;
	[tilespmem:$0x1E800] =	vst v63  }
0x5f: {  	_ =	swait.ge [sflag:s24], $0x4000  }
0x60: {  	[sflag:s24] =	ssyncset.done $0x0  }
0x61: {  	[sflag:s24] =	ssyncadd.s32 $0xFFFFC000  }
0x62: {  	_ =	swait.ge [sflag:s25], $0x4000  }
0x63: {  	[sflag:s25] =	ssyncset.done $0x0  }
0x64: {  	s0 =	simm.s32 $0x0;
	[sflag:s25] =	ssyncadd.s32 $0xFFFFC000  }
0x65: {  	[tilespmem:s0], [sflag:$0x5] =	stream.linear.gather [hbm4b:s15+s0], $0x1400, $0x38;
	[tilespmem:$0x1E800] =	vst v63  }
0x66: {  	_ =	swait.ge [sflag:s18], $0x1400  }
0x67: {  	[sflag:s18] =	ssyncset.done $0x0  }
0x68: {  	[sflag:s18] =	ssyncadd.s32 $0xFFFFEC00  }
0x69: {  	[tilespmem:s19], [sflag:$0x5] =	stream.linear.gather [hbm4b:s16+s0], $0x1400, $0x38;
	[tilespmem:$0x1E800] =	vst v63  }
0x6a: {  	_ =	swait.ge [sflag:s18], $0x1400  }
0x6b: {  	[sflag:s18] =	ssyncset.done $0x0  }
0x6c: {  	[sflag:s18] =	ssyncadd.s32 $0xFFFFEC00  }
0x6d: {  	[tilespmem:s17], [sflag:$0x1] =	stream.indirect.gather [hbm4b:s4+s20], $0x80, s0, s20, $0xb8;
	[tilespmem:$0x1E800] =	vst v63  }
0x6e: {  	_ = 	snop  }
0x6f: {  	[tilespmem:s21], [sflag:$0x2] =	stream.indirect.gather [hbm4b:s4+s20], $0x80, s20, s20, $0xb8;
	[tilespmem:$0x1E800] =	vst v63  }
0x70: {  	_ =	swait.ge [sflag:s22], $0x4000  }
0x71: {  	[sflag:s22] =	ssyncset.done $0x0  }
0x72: {  	s0 =	simm.s32 $0x1400;
	[sflag:s22] =	ssyncadd.s32 $0xFFFFC000  }
0x73: {  	[spmem:s2] =	stream.indirect.scatter.add.f32 [tilespmem:s17], [sflag:$0x3], $0x80, s0, s20, $0xb8;
	[tilespmem:$0x1E800] =	vst v63  }
0x74: {  	_ =	swait.ge [sflag:s23], $0x4000  }
0x75: {  	[sflag:s23] =	ssyncset.done $0x0  }
0x76: {  	s0 =	simm.s32 $0x1480;
	[sflag:s23] =	ssyncadd.s32 $0xFFFFC000  }
0x77: {  	[spmem:s2] =	stream.indirect.scatter.add.f32 [tilespmem:s21], [sflag:$0x4], $0x80, s0, s20, $0xb8;
	[tilespmem:$0x1E800] =	vst v63  }
0x78: {  	_ =	swait.ge [sflag:s24], $0x4000  }
0x79: {  	[sflag:s24] =	ssyncset.done $0x0  }
0x7a: {  	s0 =	simm.s32 $0x100;
	[sflag:s24] =	ssyncadd.s32 $0xFFFFC000  }
0x7b: {  	[tilespmem:s17], [sflag:$0x1] =	stream.indirect.gather [hbm4b:s4+s20], $0x80, s0, s20, $0xb8;
	[tilespmem:$0x1E800] =	vst v63  }
0x7c: {  	_ =	swait.ge [sflag:s25], $0x4000  }
0x7d: {  	[sflag:s25] =	ssyncset.done $0x0  }
0x7e: {  	s30 =	simm.s32 $0x400;
	s31 =	simm.s32 $0x180;
	[sflag:s25] =	ssyncadd.s32 $0xFFFFC000  }
.LBB2_4:
0x7f: {  	[tilespmem:s21], [sflag:$0x2] =	stream.indirect.gather [hbm4b:s4+s20], $0x80, s31, s20, $0xb8;
	[tilespmem:$0x1E800] =	vst v63  }
0x80: {  	s0 =	smov.u32 s30  }
0x81: {  	p0 =	sne.s32 s30, $0x4800;
	s30 =	sadd.s32 $0x400, s30;
	_ =	swait.ge [sflag:s22], $0x4000  }
0x82: {  	s0 =	sshra.s32 s0, $0x2;
	[sflag:s22] =	ssyncset.done $0x0  }
0x83: {  	s31 =	sadd.s32 $0x1400, s0;
	[sflag:s22] =	ssyncadd.s32 $0xFFFFC000  }
0x84: {  	[spmem:s2] =	stream.indirect.scatter.add.f32 [tilespmem:s17], [sflag:$0x3], $0x80, s31, s20, $0xb8;
	[tilespmem:$0x1E800] =	vst v63  }
0x85: {  	_ =	swait.ge [sflag:s23], $0x4000  }
0x86: {  	[sflag:s23] =	ssyncset.done $0x0  }
0x87: {  	s31 =	sadd.s32 $0x1480, s0;
	[sflag:s23] =	ssyncadd.s32 $0xFFFFC000  }
0x88: {  	[spmem:s2] =	stream.indirect.scatter.add.f32 [tilespmem:s21], [sflag:$0x4], $0x80, s31, s20, $0xb8;
	[tilespmem:$0x1E800] =	vst v63  }
0x89: {  	_ =	swait.ge [sflag:s24], $0x4000  }
0x8a: {  	[sflag:s24] =	ssyncset.done $0x0  }
.Ltmp1:
0x8b: {  	s31 =	sadd.s32 $0x100, s0;
	[sflag:s24] =	ssyncadd.s32 $0xFFFFC000;
	(pc) =	sbr.rel @p0 .LBB2_4-.Ltmp1, $4  }
0x8c: {  	[tilespmem:s17], [sflag:$0x1] =	stream.indirect.gather [hbm4b:s4+s20], $0x80, s31, s20, $0xb8;
	[tilespmem:$0x1E800] =	vst v63  }
0x8d: {  	_ =	swait.ge [sflag:s25], $0x4000  }
0x8e: {  	[sflag:s25] =	ssyncset.done $0x0  }
0x8f: {  	s31 =	sadd.s32 $0x180, s0;
	[sflag:s25] =	ssyncadd.s32 $0xFFFFC000  }
0x90: {  	[tilespmem:s21], [sflag:$0x2] =	stream.indirect.gather [hbm4b:s4+s20], $0x80, s31, s20, $0xb8;
	[tilespmem:$0x1E800] =	vst v63  }
0x91: {  	_ =	swait.ge [sflag:s22], $0x4000  }
0x92: {  	[sflag:s22] =	ssyncset.done $0x0  }
0x93: {  	[sflag:s22] =	ssyncadd.s32 $0xFFFFC000  }
0x94: {  	[spmem:s2] =	stream.indirect.scatter.add.f32 [tilespmem:s17], [sflag:$0x3], $0x80, s26, s20, $0xb8;
	[tilespmem:$0x1E800] =	vst v63  }
0x95: {  	_ =	swait.ge [sflag:s23], $0x4000  }
0x96: {  	[sflag:s23] =	ssyncset.done $0x0  }
0x97: {  	[sflag:s23] =	ssyncadd.s32 $0xFFFFC000  }
0x98: {  	[spmem:s2] =	stream.indirect.scatter.add.f32 [tilespmem:s21], [sflag:$0x4], $0x80, s28, s20, $0xb8;
	[tilespmem:$0x1E800] =	vst v63  }
0x99: {  	_ =	swait.ge [sflag:s24], $0x4000  }
0x9a: {  	[sflag:s24] =	ssyncset.done $0x0  }
0x9b: {  	[sflag:s24] =	ssyncadd.s32 $0xFFFFC000  }
0x9c: {  	_ =	swait.ge [sflag:s25], $0x4000  }
0x9d: {  	s0 =	sshll.u32 s1, $0x6;
	s29 =	sadd.s32 $0x1, s29;
	[sflag:s25] =	ssyncset.done $0x0  }
0x9e: {  	s30 =	sshrl.u32 s6, $0x3;
	p0 =	sne.s32 s29, s12;
	[sflag:s25] =	ssyncadd.s32 $0xFFFFC000  }
.Ltmp2:
0x9f: {  	s0 =	sor.u32 $0x1C05, s0;
	[bflag:$0x0] =	sbarrier.arrive $0xFFFF;
	(pc) =	sbr.rel @p0 .LBB2_1-.Ltmp2, $4  }
0xa0: {  	[hbm:s11], [sflag:s0] =	dma.local [spmem:s30], $0x2800  }
0xa1: {  	_ =	swait.ge [sflag:s18], $0x2800  }
0xa2: {  	[sflag:s18] =	ssyncset.done $0x0  }
0xa3: {  	[sflag:s18] =	ssyncadd.s32 $0xFFFFD800  }
0xa4: {  	_ =	sfence.sel $0x180000  }
0xa5: {  	[bflag:$0x0] =	sbarrier.arrive $0xFFFF  }
0xa6: {  	_ =	strace $0x9000004A  }
0xa7: {  	[bflag:$0x2] =	sbarrier.arrive $0xFFFF  }
0xa8: {  	p0 =	sne.s32 s1, $0x0;
	s0 =	rddreg [dreg:$0x2]  }
0xa9: {  	s0 =	sadd.s32 @!p0 $0x100000, s0  }
0xaa: {  	[sflag:s0] =	ssyncadd.tile.s32 @!p0 $0x1;
	_ =	shalt  }
.Lfunc_end2:
_tile_overlayer_lowered:
.L_overlay_start_2:
0xab: {  	(tag) =	ssettag $0x2  }
0xac: {  	s0 =	rddreg [dreg:$0x0];
	s2 =	stileid.u32  }
0xad: {  	s1 =	rddreg [dreg:$0x1];
	p0 =	sne.s32 s2, $0x0  }
0xae: {  	s3 =	rddreg [dreg:$0x2];
	[bflag:$0x3] =	sbarrier.arrive $0xFFFF;
	s2 =	simm.s32 @!p0 $0x1C05  }
0xaf: {  	[timem:s3], [sflag:s2] =	dma.local @!p0 [hbm:s0], s1  }
0xb0: {  	s0 =	simm.s32 @!p0 $0x5  }
0xb1: {  	_ =	swait.ge @!p0 [sflag:s0], s1  }
0xb2: {  	s1 =	ssub.s32 @!p0 $0x0, s1;
	[sflag:s0] =	ssyncset.done @!p0 $0x0  }
0xb3: {  	[sflag:s0] =	ssyncadd.s32 @!p0 s1  }
0xb4: {  	[bflag:$0x3] =	sbarrier.arrive $0xFFFF  }
0xb5: {  	_ =	shalt  }

// kernel: kernel.8.cloned.1.call-start
scs
__scs_entry_jumppad:
0x0: {  	(pc) =	sbr.rel $0x88, $3  }
0x1: {  	(tag) =	ssettag $0x0;
	lr =	simm.s32 $0x1  }
0x2: {  	[smem:$0x3F8C] =	sst lr;
	_ =	strace $0xD0000000  }
0x3: {  	_ = 	snop  }
0x4: {  	_ = 	snop  }
0x5: {  	_ = 	snop  }
0x6: {  	_ = 	snop  }
0x7: {  	_ = 	snop  }
__scs_overlays_trampoline_lowered:
0x8: {  	[smem:$0x3F9B] =	sst s0  }
0x9: {  	[smem:$0x3F9C] =	sst s1  }
0xa: {  	[smem:$0x3F9D] =	sst s2  }
0xb: {  	[smem:$0x3F9E] =	sst s3  }
0xc: {  	[smem:$0x3F9F] =	sst s4  }
0xd: {  	[smem:$0x3FA0] =	sst s5  }
0xe: {  	[smem:$0x3FA1] =	sst s6  }
0xf: {  	[smem:$0x3FA2] =	sst s7  }
0x10: {  	[smem:$0x3FA3] =	sst s8  }
0x11: {  	[smem:$0x3FA4] =	sst s9;
	s0 =	simm.s32 @!p0 $0x0  }
0x12: {  	s1 =	sld [smem:$0x3F8A];
	s0 =	simm.s32 @p0 $0x1  }
0x13: {  	[smem:$0x3FA5] =	sst s0;
	s0 =	simm.s32 @!p1 $0x0  }
0x14: {  	s2 =	sld [smem:$0x3F89];
	s0 =	simm.s32 @p1 $0x1  }
0x15: {  	[smem:$0x3FA6] =	sst s0;
	s0 =	simm.s32 @!p2 $0x0  }
0x16: {  	s3 =	sld [smem:$0x3FDB];
	s0 =	simm.s32 @p2 $0x1  }
0x17: {  	s4 =	simm.s32 $0x1BF5;
	[smem:$0x3FA8] =	sst s0  }
0x18: {  	s0 =	sld [smem:$0x3F8B];
	_ =	swait.ge [sflag:s4], $0x0  }
0x19: {  	s7 =	sld [smem:$0x3F8C]  }
0x1a: {  	s8 =	sadd.s32 $0xFFFFE003, lr  }
0x1b: {  	s9 =	sadd.s32 $0xFFFFFEF7, lr;
	s5 =	simm.s32 $0xFFFFFFFF;
	p2 =	slt.u32 s8, $0xFFFFF086  }
0x1c: {  	p1 =	slt.u32 s9, $0xF7A;
	s5 =	simm.s32 @!p2 $0x0  }
0x1d: {  	s5 =	simm.s32 @p1 $0x1;
	p0 =	seq.s32 s7, s2  }
0x1e: {  	s7 =	smul.u32 @!p0 $0xF7A, s2;
	p2 =	seq.s32 @!p0 s5, $0x0  }
0x1f: {  	s9 =	smul.u32 $0xF7A, s1;
	s8 =	simm.s32 @!p0 $0x1BF5;
	p2 =	por !p2, p0  }
0x20: {  	[sflag:s8] =	ssyncset.s32 @!p0 $0xFFFFF086;
	s6 =	sadd.s32 @!p0 s3, s7;
	s7 =	simm.s32 @!p0 $0x108  }
0x21: {  	s3 =	sadd.s32 s3, s9;
	s6 =	sadd.s32 @!p0 $0x88, s6;
	s7 =	simm.s32 @p2 $0x1082  }
0x22: {  	[simem:s7], [sflag:s8] =	dma.local @!p0 [hbm:s6], $0xF7A  }
0x23: {  	s9 =	sor.u32 $0xD0000000, s2;
	s6 =	simm.s32 $0x108;
	_ =	swait.ge @!p0 [sflag:s8], $0x0  }
0x24: {  	s3 =	sadd.s32 $0x88, s3;
	s6 =	simm.s32 @!p1 $0x1082;
	[sflag:s4] =	ssyncset.s32 $0xFFFFF086  }
0x25: {  	[simem:s6], [sflag:s4] =	dma.local [hbm:s3], $0xF7A  }
0x26: {  	[smem:$0x3F8C] =	sst s1;
	(tag) =	ssettag s2;
	_ =	strace s9  }
0x27: {  	s1 =	sld [smem:$0x3F9C]  }
0x28: {  	s2 =	sld [smem:$0x3F9D]  }
0x29: {  	s4 =	sld [smem:$0x3F9F]  }
0x2a: {  	p0 =	seq.s32 s5, $0x0;
	s5 =	sld [smem:$0x3FA0]  }
0x2b: {  	s6 =	sld [smem:$0x3FA1]  }
0x2c: {  	s7 =	sld [smem:$0x3FA2]  }
0x2d: {  	s3 =	simm.s32 $0x108;
	s8 =	sld [smem:$0x3FA3]  }
0x2e: {  	s3 =	simm.s32 @!p0 $0x1082;
	s9 =	sld [smem:$0x3FA4]  }
0x2f: {  	lr =	sadd.s32 s0, s3;
	s0 =	sld [smem:$0x3F9B]  }
0x30: {  	s3 =	sld [smem:$0x3F9E]  }
0x31: {  	[smem:$0x3FA7] =	sst s10  }
0x32: {  	s10 =	sld [smem:$0x3FA5];
	_ =	sdelay $0x3  }
0x33: {  	p0 =	seq.s32 s10, $0x1;
	s10 =	sld [smem:$0x3FA7];
	_ =	sdelay $0x3  }
0x34: {  	[smem:$0x3FA7] =	sst s10  }
0x35: {  	s10 =	sld [smem:$0x3FA6];
	_ =	sdelay $0x3  }
0x36: {  	p1 =	seq.s32 s10, $0x1;
	s10 =	sld [smem:$0x3FA7];
	_ =	sdelay $0x3  }
0x37: {  	[smem:$0x3FA7] =	sst s10  }
0x38: {  	s10 =	sld [smem:$0x3FA8]  }
0x39: {  	_ = 	snop;
	(pc) =	sbr.ind lr, $3  }
0x3a: {  	_ = 	snop  }
0x3b: {  	_ = 	snop  }
0x3c: {  	p2 =	seq.s32 s10, $0x1;
	s10 =	sld [smem:$0x3FA7]  }
0x3d: {  	_ =	shalt  }
0x3e: {  	_ =	shalt  }
0x3f: {  	_ =	shalt  }
0x40: {  	_ =	shalt  }
0x41: {  	_ =	shalt  }
0x42: {  	_ =	shalt  }
0x43: {  	_ =	shalt  }
0x44: {  	_ =	shalt  }
0x45: {  	_ =	shalt  }
0x46: {  	_ =	shalt  }
0x47: {  	_ =	shalt  }
0x48: {  	_ =	shalt  }
0x49: {  	_ =	shalt  }
0x4a: {  	_ =	shalt  }
0x4b: {  	_ =	shalt  }
0x4c: {  	_ =	shalt  }
0x4d: {  	_ =	shalt  }
0x4e: {  	_ =	shalt  }
0x4f: {  	_ =	shalt  }
0x50: {  	_ =	shalt  }
0x51: {  	_ =	shalt  }
0x52: {  	_ =	shalt  }
0x53: {  	_ =	shalt  }
0x54: {  	_ =	shalt  }
0x55: {  	_ =	shalt  }
0x56: {  	_ =	shalt  }
0x57: {  	_ =	shalt  }
0x58: {  	_ =	shalt  }
0x59: {  	_ =	shalt  }
0x5a: {  	_ =	shalt  }
0x5b: {  	_ =	shalt  }
0x5c: {  	_ =	shalt  }
0x5d: {  	_ =	shalt  }
0x5e: {  	_ =	shalt  }
0x5f: {  	_ =	shalt  }
0x60: {  	_ =	shalt  }
0x61: {  	_ =	shalt  }
0x62: {  	_ =	shalt  }
0x63: {  	_ =	shalt  }
0x64: {  	_ =	shalt  }
0x65: {  	_ =	shalt  }
0x66: {  	_ =	shalt  }
0x67: {  	_ =	shalt  }
0x68: {  	_ =	shalt  }
0x69: {  	_ =	shalt  }
0x6a: {  	_ =	shalt  }
0x6b: {  	_ =	shalt  }
0x6c: {  	_ =	shalt  }
0x6d: {  	_ =	shalt  }
0x6e: {  	_ =	shalt  }
0x6f: {  	_ =	shalt  }
0x70: {  	_ =	shalt  }
0x71: {  	_ =	shalt  }
0x72: {  	_ =	shalt  }
0x73: {  	_ =	shalt  }
0x74: {  	_ =	shalt  }
0x75: {  	_ =	shalt  }
0x76: {  	_ =	shalt  }
0x77: {  	_ =	shalt  }
0x78: {  	_ =	shalt  }
0x79: {  	_ =	shalt  }
0x7a: {  	_ =	shalt  }
0x7b: {  	_ =	shalt  }
0x7c: {  	_ =	shalt  }
0x7d: {  	_ =	shalt  }
0x7e: {  	_ =	shalt  }
0x7f: {  	_ =	shalt  }
0x80: {  	_ =	shalt  }
0x81: {  	_ =	shalt  }
0x82: {  	_ =	shalt  }
0x83: {  	_ =	shalt  }
0x84: {  	_ =	shalt  }
0x85: {  	_ =	shalt  }
0x86: {  	_ =	shalt  }
0x87: {  	_ =	shalt  }
.Lfunc_end0:
.L_simem_size_0:
called_computation_lowered:
.L_overlay_start_0:
0x88: {  	s2 =	sld [smem:$0x3FD9]  }
0x89: {  	s3 =	sld [smem:$0x3FFE];
	_ =	sdelay $0x1  }
0x8a: {  	s1 =	srdreg.scid  }
0x8b: {  	s0 =	sand.u32 $0x1, s1  }
0x8c: {  	s16 =	sshll.u32 s0, $0xA;
	s2 =	sadd.s32 s3, s2  }
0x8d: {  	s2 =	sadd.s32 s2, s16  }
0x8e: {  	[smem:$0x3FB3] =	sst s2  }
0x8f: {  	_ = 	snop  }
0x90: {  	(tm) =	ssettm $0x1  }
0x91: {  	s17 =	sld [smem:$0x3FFB];
	_ =	sdelay $0x3  }
0x92: {  	_ =	strace s17  }
0x93: {  	s2 =	sld [smem:$0x3FFC];
	_ =	sdelay $0x3  }
0x94: {  	_ =	strace s2  }
0x95: {  	s2 =	sld [smem:$0x3FFD];
	_ =	sdelay $0x3  }
0x96: {  	_ =	strace s2  }
0x97: {  	_ =	strace $0x8FFFFFFF  }
0x98: {  	s18 =	sld [smem:$0x3FDB];
	_ =	sdelay $0x1  }
0x99: {  	s19 =	simm.s32 $_scs_section_size  }
0x9a: {  	s4 =	simm.s32 $_size__tile_overlayer_lowered;
	s5 =	simm.s32 $_tile_overlayer_lowered  }
0x9b: {  	s22 =	simm.s32 $0x1BFF;
	s21 =	sshll.u32 s5, $0x1;
	s2 =	sadd.s32 s19, s18  }
0x9c: {  	s6 =	simm.s32 $0x0;
	s20 =	sshll.u32 s4, $0x1;
	s4 =	sadd.s32 s21, s2  }
0x9d: {  	[timem:s6], [sflag:s22] =	dma.local [hbm:s4], s20  }
0x9e: {  	_ =	swait.ge [sflag:s22], s20  }
0x9f: {  	s3 =	ssub.s32 $0x0, s20;
	[sflag:s22] =	ssyncset.done $0x0  }
0xa0: {  	[sflag:s22] =	ssyncadd.s32 s3;
	_ =	sdelay $0x1  }
0xa1: {  	s23 =	simm.s32 $0x1B8B  }
0xa2: {  	_ =	swait.ge [sflag:s23], $0x1  }
0xa3: {  	[sflag:s23] =	ssyncset.done $0x0  }
0xa4: {  	s25 =	simm.s32 $0x1B8E;
	s24 =	sld [smem:$0x3FFE];
	[sflag:s23] =	ssyncadd.s32 $0xFFFFFFFF  }
0xa5: {  	s26 =	simm.s32 $execute0_lowered;
	[smem:$0x3FD2] =	sst s25  }
0xa6: {  	s4 =	sshll.u32 s26, $0x1;
	_ =	strace $0x80000046;
	[dreg:$0x1] =	wrdreg $0xFFFFFFFF  }
0xa7: {  	s28 =	simm.s32 $_size_execute0_lowered;
	s2 =	sadd.s32 s2, s4;
	[dreg:$0x0] =	wrdreg $0x0  }
0xa8: {  	s4 =	sshll.u32 s28, $0x1;
	[dreg:$0x2] =	wrdreg s2  }
0xa9: {  	[dreg:$0x3] =	wrdreg s4  }
0xaa: {  	[dreg:$0x4] =	wrdreg $0xC0  }
0xab: {  	_ =	task [dreg:s6], $0x5FFFF  }
0xac: {  	[dreg:$0x1] =	wrdreg $0xFFFFFFFF  }
0xad: {  	[dreg:$0x0] =	wrdreg $0x60  }
0xae: {  	[dreg:$0x2] =	wrdreg s24  }
0xaf: {  	[dreg:$0x3] =	wrdreg $0x9  }
0xb0: {  	_ =	task.clear_ibuf [dreg:s6], $0x4FFFF;
	_ =	strace $0x90000046  }
0xb1: {  	s29 =	simm.s32 $0x9;
	_ =	strace $0x80000048  }
0xb2: {  	_ =	swait.ge [sflag:s29], $0x1  }
0xb3: {  	[sflag:s29] =	ssyncadd.s32 $0xFFFFFFFF  }
0xb4: {  	_ =	strace $0x90000048  }
0xb5: {  	_ =	sfence  }
0xb6: {  	s30 =	sld [smem:$0x0];
	_ =	sdelay $0x2  }
0xb7: {  	s31 =	sshll.u32 s1, $0xD;
	s1 =	sshrl.u32 s1, $0x2  }
0xb8: {  	s3 =	sand.u32 $0x4000, s31;
	s1 =	sadd.s32 s1, s30  }
0xb9: {  	s0 =	sor.u32 s3, s0;
	s1 =	sshll.u32 s1, $0x11  }
0xba: {  	s0 =	sor.u32 s1, s0  }
0xbb: {  	s0 =	sadd.s32 $0x8F2B, s0  }
0xbc: {  	[sflag:s0] =	ssyncadd.remote.s32 $0x1  }
0xbd: {  	_ =	sfence.sel $0xFFFF  }
0xbe: {  	[dreg:$0x0] =	wrdreg $0xFFFFFFFF;
	(pc) =	sbr.abs _section_cstart, $3  }
0xbf: {  	[dreg:$0x1] =	wrdreg $0xFFFFFFFF  }
0xc0: {  	_ =	task.clear_ibuf [dreg:s6], $0x2FFFF;
	_ =	strace $0x9FFFFFFF  }
0xc1: {  	(tm) =	ssettm $0x7FFFFFFF  }
tec
execute0_lowered:
.L_overlay_start_1:
0x0: {  	(tag) =	ssettag $0x1  }
0x1: {  	s0 =	srdreg.scid  }
0x2: {  	s3 =	sand.u32 $0x1, s0  }
0x3: {  	s4 =	rddreg [dreg:$0x0];
	s0 =	stileid.u32;
	s1 =	sshll.u32 s3, $0x4  }
0x4: {  	s2 =	simm.s32 $0x0;
	s8 =	simm.s32 $0x1;
	s1 =	sor.u32 s0, s1  }
0x5: {  	s9 =	simm.s32 $0x1400;
	s10 =	simm.s32 $0x0;
	s5 =	sshrl.u32 s1, $0x3  }
0x6: {  	[smem:$0x7FF] =	sst s2;
	s7 =	sshll.u32 s0, $0x7;
	s6 =	smul.u32 $0xA000, s5  }
0x7: {  	s3 =	ssub.s32 $0x2, s3;
	s7 =	sand.u32 $0x380, s7;
	s5 =	smul.u32 $0x14000, s5  }
0x8: {  	s31 =	sshrl.u32 s3, $0x1;
	s1 =	rddreg [dreg:$0x1];
	s6 =	sor.u32 s7, s6  }
0x9: {  	_ =	strace $0x80000047;
	s5 =	sor.u32 s7, s5;
	s6 =	sshrl.u32 s6, $0x3  }
0xa: {  	s7 =	simm.s32 $0x400;
	s5 =	sshrl.u32 s5, $0x3;
	s6 =	sadd.s32 s6, s4  }
0xb: {  	s4 =	sadd.s32 s5, s4;
	s5 =	ssub.s32 s3, s31;
	s3 =	sadd.s32 $0x3E00, s6  }
0xc: {  	v0 =	vimm.f32 $0.0e+00;
	v1 =	vimm.f32 $1.000000000e+00;
	s4 =	sadd.s32 $0x8E00, s4;
	s5 =	smax.u32 s5, $0x1;
	s6 =	simm.s32 $0x80  }
.LBB2_1:
0xd: {  	[tilespmem:s2], [sflag:$0x1] =	stream.strided.gather [hbm4b:s3+s6], $0x1400, s7, s6, $0x38;
	[tilespmem:$0x3C00] =	vst v63  }
0xe: {  	_ =	swait.ge [sflag:s8], $0x1400  }
0xf: {  	[sflag:s8] =	ssyncset.done $0x0  }
0x10: {  	s11 =	simm.s32 $0x0;
	[sflag:s8] =	ssyncadd.s32 $0xFFFFEC00  }
.LBB2_2:
0x11: {  	p0 =	sne.s32 s11, $0x9FC0  }
.Ltmp0:
0x12: {  	_ = 	snop;
	(pc) =	sbr.rel @p0 .LBB2_2-.Ltmp0, $3  }
0x13: {  	_ =	sdelay $0x1  }
0x14: {  	s12 =	sshra.s32 s11, $0x2  }
0x15: {  	s11 =	sadd.s32 $0x40, s11;
	[tilespmem:s12+$0x1400] =	vst v0  }
0x16: {  	s12 =	simm.s32 $0x0;
	s11 =	simm.s32 $0x40  }
.LBB2_4:
0x17: {  	p0 =	sne.s32 s11, $0x4E00;
	v2 =	vld [tilespmem:s12+$0x0];
	_ =	sdelay $0x3  }
.Ltmp1:
0x18: {  	(pc) =	sbr.rel @p0 .LBB2_4-.Ltmp1, $2  }
0x19: {  	_ =	sdelay $0x2  }
0x1a: {  	s12 =	sshra.s32 s11, $0x2;
	s11 =	sadd.s32 $0x40, s11;
	[tilespmem:v2+s9+$0x0] =	vst.idx.add.f32.msk $0xffff, v1  }
0x1b: {  	v2 =	vld [tilespmem:s12+$0x0];
	_ =	sdelay $0x5  }
0x1c: {  	s10 =	sadd.s32 $0x1, s10  }
0x1d: {  	p0 =	sne.s32 s10, s5  }
.Ltmp2:
0x1e: {  	[tilespmem:v2+s9+$0x0] =	vst.idx.add.f32.msk $0xffff, v1;
	(pc) =	sbr.rel @p0 .LBB2_1-.Ltmp2, $4  }
0x1f: {  	[hbm4b:s4+s6] =	stream.strided.scatter [tilespmem:s9], [sflag:$0x1], $0x2800, s7, s6, $0x38;
	[tilespmem:$0x3C00] =	vst v63  }
0x20: {  	_ =	swait.ge [sflag:s8], $0x2800  }
0x21: {  	[sflag:s8] =	ssyncset.done $0x0  }
0x22: {  	[sflag:s8] =	ssyncadd.s32 $0xFFFFD800  }
0x23: {  	_ =	sfence.sel $0x180000  }
0x24: {  	[bflag:$0x0] =	sbarrier.arrive $0xFFFF  }
0x25: {  	p0 =	sne.s32 s0, $0x0;
	_ =	strace $0x90000047  }
0x26: {  	s0 =	sadd.s32 @!p0 $0x100000, s1;
	[bflag:$0x2] =	sbarrier.arrive $0xFFFF  }
0x27: {  	[sflag:s0] =	ssyncadd.tile.s32 @!p0 $0x1;
	_ =	shalt  }
.Lfunc_end2:
_tile_overlayer_lowered:
.L_overlay_start_2:
0x28: {  	(tag) =	ssettag $0x2  }
0x29: {  	s0 =	rddreg [dreg:$0x0];
	s2 =	stileid.u32  }
0x2a: {  	s1 =	rddreg [dreg:$0x1];
	p0 =	sne.s32 s2, $0x0  }
0x2b: {  	s3 =	rddreg [dreg:$0x2];
	[bflag:$0x3] =	sbarrier.arrive $0xFFFF;
	s2 =	simm.s32 @!p0 $0x1C01  }
0x2c: {  	[timem:s3], [sflag:s2] =	dma.local @!p0 [hbm:s0], s1  }
0x2d: {  	s0 =	simm.s32 @!p0 $0x1  }
0x2e: {  	_ =	swait.ge @!p0 [sflag:s0], s1  }
0x2f: {  	s1 =	ssub.s32 @!p0 $0x0, s1;
	[sflag:s0] =	ssyncset.done @!p0 $0x0  }
0x30: {  	[sflag:s0] =	ssyncadd.s32 @!p0 s1  }
0x31: {  	[bflag:$0x3] =	sbarrier.arrive $0xFFFF  }
0x32: {  	_ =	shalt  }

</sc_bundles>
